<compile_context>
chip_gen: v7x
topology: tpu7x:2x2x1
jax: 0.10.2.dev20260603
libtpu: 0.0.44.dev20260713+nightly
codegen_flags: <defaults>
</compile_context>

<pallas_src>
import functools

import jax
import jax.numpy as jnp
from jax import lax
from jax.experimental import pallas as pl
from jax.experimental.pallas import tpu as pltpu
from jax.experimental.pallas import tpu_sc as plsc

_B, _C = 16384, 26
_NC, _NS, _L = 1, 16, 16
_W = _NC * _NS

_SC_N = 4096
_TC_N = _B - _SC_N
_CHUNK = _SC_N // _W
_VECS = _CHUNK // _L
_TC_BLK = 2048


def _sc_body(x_hbm, o_hbm, buf):
    wid = lax.axis_index("s") * jnp.int32(_NC) + lax.axis_index("c")
    base = jnp.int32(_TC_N) + wid * jnp.int32(_CHUNK)
    pltpu.sync_copy(x_hbm.at[:, pl.ds(base, _CHUNK)], buf)

    def row(r, carry):
        for u in range(_VECS):
            off = jnp.int32(u * _L)
            v = buf[r, pl.ds(off, _L)]
            hit = (v >= jnp.int32(0)) & (v <= jnp.int32(9))
            buf[r, pl.ds(off, _L)] = jnp.where(hit, v + jnp.int32(1), jnp.int32(0))
        return carry

    lax.fori_loop(jnp.int32(0), jnp.int32(_C), row, jnp.int32(0))
    pltpu.sync_copy(buf, o_hbm.at[:, pl.ds(wid * jnp.int32(_CHUNK), _CHUNK)])


def _tc_body(x_ref, o_ref):
    x = x_ref[...]
    hit = (x >= 0) & (x <= 9)
    o_ref[...] = jnp.where(hit, x + 1, 0)


def kernel(inputs):
    x32 = inputs.T.astype(jnp.int32)
    mesh = plsc.VectorSubcoreMesh(core_axis_name="c", subcore_axis_name="s", num_cores=1)
    sc_call = functools.partial(
        pl.kernel,
        out_type=jax.ShapeDtypeStruct((_C, _SC_N), jnp.int32),
        mesh=mesh,
        scratch_types=[pltpu.VMEM((_C, _CHUNK), jnp.int32)],
    )(_sc_body)
    sc_out = sc_call(x32)
    tc_out = pl.pallas_call(
        _tc_body,
        grid=(_TC_N // _TC_BLK,),
        in_specs=[pl.BlockSpec((_C, _TC_BLK), lambda i: (jnp.int32(0), i))],
        out_specs=pl.BlockSpec((_C, _TC_BLK), lambda i: (jnp.int32(0), i)),
        out_shape=jax.ShapeDtypeStruct((_C, _TC_N), jnp.int32),
    )(x32)
    out = jnp.concatenate([tc_out, sc_out], axis=1)
    return out.astype(jnp.int64).T

# --- scband reference (transcript-rebuilt; emitter-appended) ---
"""Pipeline reference for scband-group-vocab-encoder-83494164234738 (READ-ONLY COPY).

The authoritative reference and input builder live on the scoring server;
editing this copy changes nothing except your own understanding.
"""

import jax, jax.numpy as jnp
import numpy as np

jax.config.update("jax_enable_x64", True)

COLUMNS = ["c%d" % i for i in range(26)]
KEYS = {c: list(range(10)) for c in COLUMNS}
DEFAULT = 0
BEGIN_INDEX = 1
BATCH = 16384


def setup_inputs(seed: int = 0) -> dict:
    key = jax.random.key(seed)
    inputs = jax.random.randint(key, (BATCH, len(COLUMNS)), 0, 12, dtype=jnp.int64)
    return {"inputs": inputs}


def _table_lookup(key_arr, val_arr, x, default):
    # Faithful model of tf.lookup.StaticHashTable.lookup: exact-match key -> value,
    # missing keys map to `default`. Keys are sorted so searchsorted is exact.
    n = key_arr.shape[0]
    idx = jnp.searchsorted(key_arr, x)
    idx_c = jnp.clip(idx, 0, n - 1)
    found = key_arr[idx_c] == x
    return jnp.where(found, val_arr[idx_c], jnp.asarray(default, dtype=val_arr.dtype))


def reference(inputs) -> jnp.ndarray:
    # inputs: int64[B, n_columns] (2-D case of GroupVocabEncoder.call)
    outs = []
    for i, c in enumerate(COLUMNS):
        key_arr = jnp.asarray(KEYS[c], dtype=inputs.dtype)
        val_arr = jnp.arange(BEGIN_INDEX, BEGIN_INDEX + key_arr.shape[0], dtype=jnp.int64)
        col = _table_lookup(key_arr, val_arr, inputs[:, i], DEFAULT)
        outs.append(col[:, None])  # tf.expand_dims(..., axis=1)
    return jnp.concatenate(outs, axis=1)  # tf.concat(output, axis=1)

if __name__ == "__main__":
    import jax
    _d = setup_inputs()
    print(jax.jit(kernel)(*tuple(_d.values())))

</pallas_src>

<mosaic_0001>
#map = affine_map<(d0, d1) -> (0, 0)>
module attributes {stable_mosaic.version = 14 : i64} {
  func.func @_sc_body(%arg0: i32, %arg1: i32, %arg2: memref<26x16384xi32, #tpu.memory_space<hbm>>, %arg3: memref<26x4096xi32, #tpu.memory_space<hbm>>, %arg4: memref<26x256xi32, #tpu.memory_space<vmem>>) attributes {dimension_semantics = [#tpu.dimension_semantics<core_parallel>, #tpu.dimension_semantics<subcore_parallel>], iteration_bounds = array<i64: 1, 16>, scalar_prefetch = 0 : i64, scratch_operands = 1 : i64, tpu.core_type = #tpu.core_type<sc_vector_subcore>, window_params = [{transform_indices = #map}, {transform_indices = #map}]} {
    %mul3A = arith.constant 1 : i32
    %mul3A_0 = arith.muli %arg1, %mul3A : i32
    %add3A = arith.addi %mul3A_0, %arg0 : i32
    %mul3A_1 = arith.constant 256 : i32
    %mul3A_2 = arith.muli %add3A, %mul3A_1 : i32
    %add3A_3 = arith.constant 12288 : i32
    %add3A_4 = arith.addi %add3A_3, %mul3A_2 : i32
    "tpu.region"() ({
      %run_scoped3A = tpu.sem_alloc : memref<!tpu.dma_semaphore, #tpu.memory_space<semaphore_mem>>
      %dma_start3A = arith.constant 0 : i32
      %dma_start3A_17 = tpu.memref_slice %arg2[%dma_start3A, %add3A_4] : memref<26x16384xi32, #tpu.memory_space<hbm>> -> memref<26x256xi32, #tpu.memory_space<hbm>>
      %dma_start3A_18 = arith.constant 0 : i32
      %dma_start3A_19 = tpu.memref_slice %arg2[%dma_start3A_18, %add3A_4] : memref<26x16384xi32, #tpu.memory_space<hbm>> -> memref<26x256xi32, #tpu.memory_space<hbm>>
      tpu.enqueue_dma source(%dma_start3A_19 : memref<26x256xi32, #tpu.memory_space<hbm>>) target(%arg4 : memref<26x256xi32, #tpu.memory_space<vmem>>) target_semaphore(%run_scoped3A : memref<!tpu.dma_semaphore, #tpu.memory_space<semaphore_mem>>)
      %dma_wait3A = arith.constant 0 : i32
      %dma_wait3A_20 = tpu.memref_slice %arg2[%dma_wait3A, %add3A_4] : memref<26x16384xi32, #tpu.memory_space<hbm>> -> memref<26x256xi32, #tpu.memory_space<hbm>>
      %dma_wait3A_21 = arith.constant 0 : i32
      %dma_wait3A_22 = tpu.memref_slice %arg2[%dma_wait3A_21, %add3A_4] : memref<26x16384xi32, #tpu.memory_space<hbm>> -> memref<26x256xi32, #tpu.memory_space<hbm>>
      tpu.wait_dma2 semaphore(%run_scoped3A : memref<!tpu.dma_semaphore, #tpu.memory_space<semaphore_mem>>) src(%dma_wait3A_22 : memref<26x256xi32, #tpu.memory_space<hbm>>) dst(%arg4 : memref<26x256xi32, #tpu.memory_space<vmem>>)
      tpu.yield
    }) : () -> ()
    %while3A = arith.constant 0 : i32
    %while3A_5 = arith.constant 0 : i32
    %while3A_6 = arith.constant 26 : i32
    %while3A_7 = arith.subi %while3A_6, %while3A_5 : i32
    %while3A_8 = arith.addi %while3A_5, %while3A_7 : i32
    %while3A_9 = arith.constant 1 : i32
    %while3A_10 = arith.divsi %while3A_7, %while3A_9 : i32
    %while3A_11 = arith.muli %while3A_10, %while3A_9 : i32
    %while3A_12 = arith.addi %while3A_5, %while3A_11 : i32
    %while3A_13 = arith.constant 1 : i32
    scf.for %while3A_17 = %while3A_5 to %while3A_12 step %while3A_13  : i32 {
      %get3A = arith.constant 0 : i32
      %get3A_18 = arith.index_cast %while3A_17 : i32 to index
      %get3A_19 = arith.index_cast %get3A : i32 to index
      %get3A_20 = tpu.vector_load %arg4[%get3A_18, %get3A_19] {strides = array<i32>} : memref<26x256xi32, #tpu.memory_space<vmem>>, vector<1x16xi32>,
      %get3A_21 = vector.shape_cast %get3A_20 : vector<1x16xi32> to vector<16xi32>
      %ge3A = arith.constant 0 : i32
      %ge3A_22 = vector.broadcast %ge3A : i32 to vector<16xi32>
      %ge3A_23 = arith.cmpi sge, %get3A_21, %ge3A_22 : vector<16xi32>
      %le3A = arith.constant 9 : i32
      %le3A_24 = vector.broadcast %le3A : i32 to vector<16xi32>
      %le3A_25 = arith.cmpi sle, %get3A_21, %le3A_24 : vector<16xi32>
      %and3A = arith.andi %ge3A_23, %le3A_25 : vector<16xi1>
      %add3A_26 = arith.constant 1 : i32
      %add3A_27 = vector.broadcast %add3A_26 : i32 to vector<16xi32>
      %add3A_28 = arith.addi %get3A_21, %add3A_27 : vector<16xi32>
      %jit3A = arith.constant 0 : i32
      %broadcast_in_dim3A = vector.broadcast %jit3A : i32 to vector<16xi32>
      %select_n3A = arith.select %and3A, %add3A_28, %broadcast_in_dim3A : vector<16xi1>, vector<16xi32>
      %swap3A = arith.constant 0 : i32
      %swap3A_29 = arith.index_cast %while3A_17 : i32 to index
      %swap3A_30 = arith.index_cast %swap3A : i32 to index
      %swap3A_31 = tpu.vector_load %arg4[%swap3A_29, %swap3A_30] {strides = array<i32>} : memref<26x256xi32, #tpu.memory_space<vmem>>, vector<1x16xi32>,
      %swap3A_32 = vector.shape_cast %swap3A_31 : vector<1x16xi32> to vector<16xi32>
      %swap3A_33 = vector.shape_cast %select_n3A : vector<16xi32> to vector<1x16xi32>
      tpu.vector_store %arg4[%swap3A_29, %swap3A_30], %swap3A_33 {strides = array<i32>} : memref<26x256xi32, #tpu.memory_space<vmem>>, vector<1x16xi32>,
      %get3A_34 = arith.constant 16 : i32
      %get3A_35 = arith.index_cast %while3A_17 : i32 to index
      %get3A_36 = arith.index_cast %get3A_34 : i32 to index
      %get3A_37 = tpu.vector_load %arg4[%get3A_35, %get3A_36] {strides = array<i32>} : memref<26x256xi32, #tpu.memory_space<vmem>>, vector<1x16xi32>,
      %get3A_38 = vector.shape_cast %get3A_37 : vector<1x16xi32> to vector<16xi32>
      %ge3A_39 = arith.constant 0 : i32
      %ge3A_40 = vector.broadcast %ge3A_39 : i32 to vector<16xi32>
      %ge3A_41 = arith.cmpi sge, %get3A_38, %ge3A_40 : vector<16xi32>
      %le3A_42 = arith.constant 9 : i32
      %le3A_43 = vector.broadcast %le3A_42 : i32 to vector<16xi32>
      %le3A_44 = arith.cmpi sle, %get3A_38, %le3A_43 : vector<16xi32>
      %and3A_45 = arith.andi %ge3A_41, %le3A_44 : vector<16xi1>
      %add3A_46 = arith.constant 1 : i32
      %add3A_47 = vector.broadcast %add3A_46 : i32 to vector<16xi32>
      %add3A_48 = arith.addi %get3A_38, %add3A_47 : vector<16xi32>
      %jit3A_49 = arith.constant 0 : i32
      %broadcast_in_dim3A_50 = vector.broadcast %jit3A_49 : i32 to vector<16xi32>
      %select_n3A_51 = arith.select %and3A_45, %add3A_48, %broadcast_in_dim3A_50 : vector<16xi1>, vector<16xi32>
      %swap3A_52 = arith.constant 16 : i32
      %swap3A_53 = arith.index_cast %while3A_17 : i32 to index
      %swap3A_54 = arith.index_cast %swap3A_52 : i32 to index
      %swap3A_55 = tpu.vector_load %arg4[%swap3A_53, %swap3A_54] {strides = array<i32>} : memref<26x256xi32, #tpu.memory_space<vmem>>, vector<1x16xi32>,
      %swap3A_56 = vector.shape_cast %swap3A_55 : vector<1x16xi32> to vector<16xi32>
      %swap3A_57 = vector.shape_cast %select_n3A_51 : vector<16xi32> to vector<1x16xi32>
      tpu.vector_store %arg4[%swap3A_53, %swap3A_54], %swap3A_57 {strides = array<i32>} : memref<26x256xi32, #tpu.memory_space<vmem>>, vector<1x16xi32>,
      %get3A_58 = arith.constant 32 : i32
      %get3A_59 = arith.index_cast %while3A_17 : i32 to index
      %get3A_60 = arith.index_cast %get3A_58 : i32 to index
      %get3A_61 = tpu.vector_load %arg4[%get3A_59, %get3A_60] {strides = array<i32>} : memref<26x256xi32, #tpu.memory_space<vmem>>, vector<1x16xi32>,
      %get3A_62 = vector.shape_cast %get3A_61 : vector<1x16xi32> to vector<16xi32>
      %ge3A_63 = arith.constant 0 : i32
      %ge3A_64 = vector.broadcast %ge3A_63 : i32 to vector<16xi32>
      %ge3A_65 = arith.cmpi sge, %get3A_62, %ge3A_64 : vector<16xi32>
      %le3A_66 = arith.constant 9 : i32
      %le3A_67 = vector.broadcast %le3A_66 : i32 to vector<16xi32>
      %le3A_68 = arith.cmpi sle, %get3A_62, %le3A_67 : vector<16xi32>
      %and3A_69 = arith.andi %ge3A_65, %le3A_68 : vector<16xi1>
      %add3A_70 = arith.constant 1 : i32
      %add3A_71 = vector.broadcast %add3A_70 : i32 to vector<16xi32>
      %add3A_72 = arith.addi %get3A_62, %add3A_71 : vector<16xi32>
      %jit3A_73 = arith.constant 0 : i32
      %broadcast_in_dim3A_74 = vector.broadcast %jit3A_73 : i32 to vector<16xi32>
      %select_n3A_75 = arith.select %and3A_69, %add3A_72, %broadcast_in_dim3A_74 : vector<16xi1>, vector<16xi32>
      %swap3A_76 = arith.constant 32 : i32
      %swap3A_77 = arith.index_cast %while3A_17 : i32 to index
      %swap3A_78 = arith.index_cast %swap3A_76 : i32 to index
      %swap3A_79 = tpu.vector_load %arg4[%swap3A_77, %swap3A_78] {strides = array<i32>} : memref<26x256xi32, #tpu.memory_space<vmem>>, vector<1x16xi32>,
      %swap3A_80 = vector.shape_cast %swap3A_79 : vector<1x16xi32> to vector<16xi32>
      %swap3A_81 = vector.shape_cast %select_n3A_75 : vector<16xi32> to vector<1x16xi32>
      tpu.vector_store %arg4[%swap3A_77, %swap3A_78], %swap3A_81 {strides = array<i32>} : memref<26x256xi32, #tpu.memory_space<vmem>>, vector<1x16xi32>,
      %get3A_82 = arith.constant 48 : i32
      %get3A_83 = arith.index_cast %while3A_17 : i32 to index
      %get3A_84 = arith.index_cast %get3A_82 : i32 to index
      %get3A_85 = tpu.vector_load %arg4[%get3A_83, %get3A_84] {strides = array<i32>} : memref<26x256xi32, #tpu.memory_space<vmem>>, vector<1x16xi32>,
      %get3A_86 = vector.shape_cast %get3A_85 : vector<1x16xi32> to vector<16xi32>
      %ge3A_87 = arith.constant 0 : i32
      %ge3A_88 = vector.broadcast %ge3A_87 : i32 to vector<16xi32>
      %ge3A_89 = arith.cmpi sge, %get3A_86, %ge3A_88 : vector<16xi32>
      %le3A_90 = arith.constant 9 : i32
      %le3A_91 = vector.broadcast %le3A_90 : i32 to vector<16xi32>
      %le3A_92 = arith.cmpi sle, %get3A_86, %le3A_91 : vector<16xi32>
      %and3A_93 = arith.andi %ge3A_89, %le3A_92 : vector<16xi1>
      %add3A_94 = arith.constant 1 : i32
      %add3A_95 = vector.broadcast %add3A_94 : i32 to vector<16xi32>
      %add3A_96 = arith.addi %get3A_86, %add3A_95 : vector<16xi32>
      %jit3A_97 = arith.constant 0 : i32
      %broadcast_in_dim3A_98 = vector.broadcast %jit3A_97 : i32 to vector<16xi32>
      %select_n3A_99 = arith.select %and3A_93, %add3A_96, %broadcast_in_dim3A_98 : vector<16xi1>, vector<16xi32>
      %swap3A_100 = arith.constant 48 : i32
      %swap3A_101 = arith.index_cast %while3A_17 : i32 to index
      %swap3A_102 = arith.index_cast %swap3A_100 : i32 to index
      %swap3A_103 = tpu.vector_load %arg4[%swap3A_101, %swap3A_102] {strides = array<i32>} : memref<26x256xi32, #tpu.memory_space<vmem>>, vector<1x16xi32>,
      %swap3A_104 = vector.shape_cast %swap3A_103 : vector<1x16xi32> to vector<16xi32>
      %swap3A_105 = vector.shape_cast %select_n3A_99 : vector<16xi32> to vector<1x16xi32>
      tpu.vector_store %arg4[%swap3A_101, %swap3A_102], %swap3A_105 {strides = array<i32>} : memref<26x256xi32, #tpu.memory_space<vmem>>, vector<1x16xi32>,
      %get3A_106 = arith.constant 64 : i32
      %get3A_107 = arith.index_cast %while3A_17 : i32 to index
      %get3A_108 = arith.index_cast %get3A_106 : i32 to index
      %get3A_109 = tpu.vector_load %arg4[%get3A_107, %get3A_108] {strides = array<i32>} : memref<26x256xi32, #tpu.memory_space<vmem>>, vector<1x16xi32>,
      %get3A_110 = vector.shape_cast %get3A_109 : vector<1x16xi32> to vector<16xi32>
      %ge3A_111 = arith.constant 0 : i32
      %ge3A_112 = vector.broadcast %ge3A_111 : i32 to vector<16xi32>
      %ge3A_113 = arith.cmpi sge, %get3A_110, %ge3A_112 : vector<16xi32>
      %le3A_114 = arith.constant 9 : i32
      %le3A_115 = vector.broadcast %le3A_114 : i32 to vector<16xi32>
      %le3A_116 = arith.cmpi sle, %get3A_110, %le3A_115 : vector<16xi32>
      %and3A_117 = arith.andi %ge3A_113, %le3A_116 : vector<16xi1>
      %add3A_118 = arith.constant 1 : i32
      %add3A_119 = vector.broadcast %add3A_118 : i32 to vector<16xi32>
      %add3A_120 = arith.addi %get3A_110, %add3A_119 : vector<16xi32>
      %jit3A_121 = arith.constant 0 : i32
      %broadcast_in_dim3A_122 = vector.broadcast %jit3A_121 : i32 to vector<16xi32>
      %select_n3A_123 = arith.select %and3A_117, %add3A_120, %broadcast_in_dim3A_122 : vector<16xi1>, vector<16xi32>
      %swap3A_124 = arith.constant 64 : i32
      %swap3A_125 = arith.index_cast %while3A_17 : i32 to index
      %swap3A_126 = arith.index_cast %swap3A_124 : i32 to index
      %swap3A_127 = tpu.vector_load %arg4[%swap3A_125, %swap3A_126] {strides = array<i32>} : memref<26x256xi32, #tpu.memory_space<vmem>>, vector<1x16xi32>,
      %swap3A_128 = vector.shape_cast %swap3A_127 : vector<1x16xi32> to vector<16xi32>
      %swap3A_129 = vector.shape_cast %select_n3A_123 : vector<16xi32> to vector<1x16xi32>
      tpu.vector_store %arg4[%swap3A_125, %swap3A_126], %swap3A_129 {strides = array<i32>} : memref<26x256xi32, #tpu.memory_space<vmem>>, vector<1x16xi32>,
      %get3A_130 = arith.constant 80 : i32
      %get3A_131 = arith.index_cast %while3A_17 : i32 to index
      %get3A_132 = arith.index_cast %get3A_130 : i32 to index
      %get3A_133 = tpu.vector_load %arg4[%get3A_131, %get3A_132] {strides = array<i32>} : memref<26x256xi32, #tpu.memory_space<vmem>>, vector<1x16xi32>,
      %get3A_134 = vector.shape_cast %get3A_133 : vector<1x16xi32> to vector<16xi32>
      %ge3A_135 = arith.constant 0 : i32
      %ge3A_136 = vector.broadcast %ge3A_135 : i32 to vector<16xi32>
      %ge3A_137 = arith.cmpi sge, %get3A_134, %ge3A_136 : vector<16xi32>
      %le3A_138 = arith.constant 9 : i32
      %le3A_139 = vector.broadcast %le3A_138 : i32 to vector<16xi32>
      %le3A_140 = arith.cmpi sle, %get3A_134, %le3A_139 : vector<16xi32>
      %and3A_141 = arith.andi %ge3A_137, %le3A_140 : vector<16xi1>
      %add3A_142 = arith.constant 1 : i32
      %add3A_143 = vector.broadcast %add3A_142 : i32 to vector<16xi32>
      %add3A_144 = arith.addi %get3A_134, %add3A_143 : vector<16xi32>
      %jit3A_145 = arith.constant 0 : i32
      %broadcast_in_dim3A_146 = vector.broadcast %jit3A_145 : i32 to vector<16xi32>
      %select_n3A_147 = arith.select %and3A_141, %add3A_144, %broadcast_in_dim3A_146 : vector<16xi1>, vector<16xi32>
      %swap3A_148 = arith.constant 80 : i32
      %swap3A_149 = arith.index_cast %while3A_17 : i32 to index
      %swap3A_150 = arith.index_cast %swap3A_148 : i32 to index
      %swap3A_151 = tpu.vector_load %arg4[%swap3A_149, %swap3A_150] {strides = array<i32>} : memref<26x256xi32, #tpu.memory_space<vmem>>, vector<1x16xi32>,
      %swap3A_152 = vector.shape_cast %swap3A_151 : vector<1x16xi32> to vector<16xi32>
      %swap3A_153 = vector.shape_cast %select_n3A_147 : vector<16xi32> to vector<1x16xi32>
      tpu.vector_store %arg4[%swap3A_149, %swap3A_150], %swap3A_153 {strides = array<i32>} : memref<26x256xi32, #tpu.memory_space<vmem>>, vector<1x16xi32>,
      %get3A_154 = arith.constant 96 : i32
      %get3A_155 = arith.index_cast %while3A_17 : i32 to index
      %get3A_156 = arith.index_cast %get3A_154 : i32 to index
      %get3A_157 = tpu.vector_load %arg4[%get3A_155, %get3A_156] {strides = array<i32>} : memref<26x256xi32, #tpu.memory_space<vmem>>, vector<1x16xi32>,
      %get3A_158 = vector.shape_cast %get3A_157 : vector<1x16xi32> to vector<16xi32>
      %ge3A_159 = arith.constant 0 : i32
      %ge3A_160 = vector.broadcast %ge3A_159 : i32 to vector<16xi32>
      %ge3A_161 = arith.cmpi sge, %get3A_158, %ge3A_160 : vector<16xi32>
      %le3A_162 = arith.constant 9 : i32
      %le3A_163 = vector.broadcast %le3A_162 : i32 to vector<16xi32>
      %le3A_164 = arith.cmpi sle, %get3A_158, %le3A_163 : vector<16xi32>
      %and3A_165 = arith.andi %ge3A_161, %le3A_164 : vector<16xi1>
      %add3A_166 = arith.constant 1 : i32
      %add3A_167 = vector.broadcast %add3A_166 : i32 to vector<16xi32>
      %add3A_168 = arith.addi %get3A_158, %add3A_167 : vector<16xi32>
      %jit3A_169 = arith.constant 0 : i32
      %broadcast_in_dim3A_170 = vector.broadcast %jit3A_169 : i32 to vector<16xi32>
      %select_n3A_171 = arith.select %and3A_165, %add3A_168, %broadcast_in_dim3A_170 : vector<16xi1>, vector<16xi32>
      %swap3A_172 = arith.constant 96 : i32
      %swap3A_173 = arith.index_cast %while3A_17 : i32 to index
      %swap3A_174 = arith.index_cast %swap3A_172 : i32 to index
      %swap3A_175 = tpu.vector_load %arg4[%swap3A_173, %swap3A_174] {strides = array<i32>} : memref<26x256xi32, #tpu.memory_space<vmem>>, vector<1x16xi32>,
      %swap3A_176 = vector.shape_cast %swap3A_175 : vector<1x16xi32> to vector<16xi32>
      %swap3A_177 = vector.shape_cast %select_n3A_171 : vector<16xi32> to vector<1x16xi32>
      tpu.vector_store %arg4[%swap3A_173, %swap3A_174], %swap3A_177 {strides = array<i32>} : memref<26x256xi32, #tpu.memory_space<vmem>>, vector<1x16xi32>,
      %get3A_178 = arith.constant 112 : i32
      %get3A_179 = arith.index_cast %while3A_17 : i32 to index
      %get3A_180 = arith.index_cast %get3A_178 : i32 to index
      %get3A_181 = tpu.vector_load %arg4[%get3A_179, %get3A_180] {strides = array<i32>} : memref<26x256xi32, #tpu.memory_space<vmem>>, vector<1x16xi32>,
      %get3A_182 = vector.shape_cast %get3A_181 : vector<1x16xi32> to vector<16xi32>
      %ge3A_183 = arith.constant 0 : i32
      %ge3A_184 = vector.broadcast %ge3A_183 : i32 to vector<16xi32>
      %ge3A_185 = arith.cmpi sge, %get3A_182, %ge3A_184 : vector<16xi32>
      %le3A_186 = arith.constant 9 : i32
      %le3A_187 = vector.broadcast %le3A_186 : i32 to vector<16xi32>
      %le3A_188 = arith.cmpi sle, %get3A_182, %le3A_187 : vector<16xi32>
      %and3A_189 = arith.andi %ge3A_185, %le3A_188 : vector<16xi1>
      %add3A_190 = arith.constant 1 : i32
      %add3A_191 = vector.broadcast %add3A_190 : i32 to vector<16xi32>
      %add3A_192 = arith.addi %get3A_182, %add3A_191 : vector<16xi32>
      %jit3A_193 = arith.constant 0 : i32
      %broadcast_in_dim3A_194 = vector.broadcast %jit3A_193 : i32 to vector<16xi32>
      %select_n3A_195 = arith.select %and3A_189, %add3A_192, %broadcast_in_dim3A_194 : vector<16xi1>, vector<16xi32>
      %swap3A_196 = arith.constant 112 : i32
      %swap3A_197 = arith.index_cast %while3A_17 : i32 to index
      %swap3A_198 = arith.index_cast %swap3A_196 : i32 to index
      %swap3A_199 = tpu.vector_load %arg4[%swap3A_197, %swap3A_198] {strides = array<i32>} : memref<26x256xi32, #tpu.memory_space<vmem>>, vector<1x16xi32>,
      %swap3A_200 = vector.shape_cast %swap3A_199 : vector<1x16xi32> to vector<16xi32>
      %swap3A_201 = vector.shape_cast %select_n3A_195 : vector<16xi32> to vector<1x16xi32>
      tpu.vector_store %arg4[%swap3A_197, %swap3A_198], %swap3A_201 {strides = array<i32>} : memref<26x256xi32, #tpu.memory_space<vmem>>, vector<1x16xi32>,
      %get3A_202 = arith.constant 128 : i32
      %get3A_203 = arith.index_cast %while3A_17 : i32 to index
      %get3A_204 = arith.index_cast %get3A_202 : i32 to index
      %get3A_205 = tpu.vector_load %arg4[%get3A_203, %get3A_204] {strides = array<i32>} : memref<26x256xi32, #tpu.memory_space<vmem>>, vector<1x16xi32>,
      %get3A_206 = vector.shape_cast %get3A_205 : vector<1x16xi32> to vector<16xi32>
      %ge3A_207 = arith.constant 0 : i32
      %ge3A_208 = vector.broadcast %ge3A_207 : i32 to vector<16xi32>
      %ge3A_209 = arith.cmpi sge, %get3A_206, %ge3A_208 : vector<16xi32>
      %le3A_210 = arith.constant 9 : i32
      %le3A_211 = vector.broadcast %le3A_210 : i32 to vector<16xi32>
      %le3A_212 = arith.cmpi sle, %get3A_206, %le3A_211 : vector<16xi32>
      %and3A_213 = arith.andi %ge3A_209, %le3A_212 : vector<16xi1>
      %add3A_214 = arith.constant 1 : i32
      %add3A_215 = vector.broadcast %add3A_214 : i32 to vector<16xi32>
      %add3A_216 = arith.addi %get3A_206, %add3A_215 : vector<16xi32>
      %jit3A_217 = arith.constant 0 : i32
      %broadcast_in_dim3A_218 = vector.broadcast %jit3A_217 : i32 to vector<16xi32>
      %select_n3A_219 = arith.select %and3A_213, %add3A_216, %broadcast_in_dim3A_218 : vector<16xi1>, vector<16xi32>
      %swap3A_220 = arith.constant 128 : i32
      %swap3A_221 = arith.index_cast %while3A_17 : i32 to index
      %swap3A_222 = arith.index_cast %swap3A_220 : i32 to index
      %swap3A_223 = tpu.vector_load %arg4[%swap3A_221, %swap3A_222] {strides = array<i32>} : memref<26x256xi32, #tpu.memory_space<vmem>>, vector<1x16xi32>,
      %swap3A_224 = vector.shape_cast %swap3A_223 : vector<1x16xi32> to vector<16xi32>
      %swap3A_225 = vector.shape_cast %select_n3A_219 : vector<16xi32> to vector<1x16xi32>
      tpu.vector_store %arg4[%swap3A_221, %swap3A_222], %swap3A_225 {strides = array<i32>} : memref<26x256xi32, #tpu.memory_space<vmem>>, vector<1x16xi32>,
      %get3A_226 = arith.constant 144 : i32
      %get3A_227 = arith.index_cast %while3A_17 : i32 to index
      %get3A_228 = arith.index_cast %get3A_226 : i32 to index
      %get3A_229 = tpu.vector_load %arg4[%get3A_227, %get3A_228] {strides = array<i32>} : memref<26x256xi32, #tpu.memory_space<vmem>>, vector<1x16xi32>,
      %get3A_230 = vector.shape_cast %get3A_229 : vector<1x16xi32> to vector<16xi32>
      %ge3A_231 = arith.constant 0 : i32
      %ge3A_232 = vector.broadcast %ge3A_231 : i32 to vector<16xi32>
      %ge3A_233 = arith.cmpi sge, %get3A_230, %ge3A_232 : vector<16xi32>
      %le3A_234 = arith.constant 9 : i32
      %le3A_235 = vector.broadcast %le3A_234 : i32 to vector<16xi32>
      %le3A_236 = arith.cmpi sle, %get3A_230, %le3A_235 : vector<16xi32>
      %and3A_237 = arith.andi %ge3A_233, %le3A_236 : vector<16xi1>
      %add3A_238 = arith.constant 1 : i32
      %add3A_239 = vector.broadcast %add3A_238 : i32 to vector<16xi32>
      %add3A_240 = arith.addi %get3A_230, %add3A_239 : vector<16xi32>
      %jit3A_241 = arith.constant 0 : i32
      %broadcast_in_dim3A_242 = vector.broadcast %jit3A_241 : i32 to vector<16xi32>
      %select_n3A_243 = arith.select %and3A_237, %add3A_240, %broadcast_in_dim3A_242 : vector<16xi1>, vector<16xi32>
      %swap3A_244 = arith.constant 144 : i32
      %swap3A_245 = arith.index_cast %while3A_17 : i32 to index
      %swap3A_246 = arith.index_cast %swap3A_244 : i32 to index
      %swap3A_247 = tpu.vector_load %arg4[%swap3A_245, %swap3A_246] {strides = array<i32>} : memref<26x256xi32, #tpu.memory_space<vmem>>, vector<1x16xi32>,
      %swap3A_248 = vector.shape_cast %swap3A_247 : vector<1x16xi32> to vector<16xi32>
      %swap3A_249 = vector.shape_cast %select_n3A_243 : vector<16xi32> to vector<1x16xi32>
      tpu.vector_store %arg4[%swap3A_245, %swap3A_246], %swap3A_249 {strides = array<i32>} : memref<26x256xi32, #tpu.memory_space<vmem>>, vector<1x16xi32>,
      %get3A_250 = arith.constant 160 : i32
      %get3A_251 = arith.index_cast %while3A_17 : i32 to index
      %get3A_252 = arith.index_cast %get3A_250 : i32 to index
      %get3A_253 = tpu.vector_load %arg4[%get3A_251, %get3A_252] {strides = array<i32>} : memref<26x256xi32, #tpu.memory_space<vmem>>, vector<1x16xi32>,
      %get3A_254 = vector.shape_cast %get3A_253 : vector<1x16xi32> to vector<16xi32>
      %ge3A_255 = arith.constant 0 : i32
      %ge3A_256 = vector.broadcast %ge3A_255 : i32 to vector<16xi32>
      %ge3A_257 = arith.cmpi sge, %get3A_254, %ge3A_256 : vector<16xi32>
      %le3A_258 = arith.constant 9 : i32
      %le3A_259 = vector.broadcast %le3A_258 : i32 to vector<16xi32>
      %le3A_260 = arith.cmpi sle, %get3A_254, %le3A_259 : vector<16xi32>
      %and3A_261 = arith.andi %ge3A_257, %le3A_260 : vector<16xi1>
      %add3A_262 = arith.constant 1 : i32
      %add3A_263 = vector.broadcast %add3A_262 : i32 to vector<16xi32>
      %add3A_264 = arith.addi %get3A_254, %add3A_263 : vector<16xi32>
      %jit3A_265 = arith.constant 0 : i32
      %broadcast_in_dim3A_266 = vector.broadcast %jit3A_265 : i32 to vector<16xi32>
      %select_n3A_267 = arith.select %and3A_261, %add3A_264, %broadcast_in_dim3A_266 : vector<16xi1>, vector<16xi32>
      %swap3A_268 = arith.constant 160 : i32
      %swap3A_269 = arith.index_cast %while3A_17 : i32 to index
      %swap3A_270 = arith.index_cast %swap3A_268 : i32 to index
      %swap3A_271 = tpu.vector_load %arg4[%swap3A_269, %swap3A_270] {strides = array<i32>} : memref<26x256xi32, #tpu.memory_space<vmem>>, vector<1x16xi32>,
      %swap3A_272 = vector.shape_cast %swap3A_271 : vector<1x16xi32> to vector<16xi32>
      %swap3A_273 = vector.shape_cast %select_n3A_267 : vector<16xi32> to vector<1x16xi32>
      tpu.vector_store %arg4[%swap3A_269, %swap3A_270], %swap3A_273 {strides = array<i32>} : memref<26x256xi32, #tpu.memory_space<vmem>>, vector<1x16xi32>,
      %get3A_274 = arith.constant 176 : i32
      %get3A_275 = arith.index_cast %while3A_17 : i32 to index
      %get3A_276 = arith.index_cast %get3A_274 : i32 to index
      %get3A_277 = tpu.vector_load %arg4[%get3A_275, %get3A_276] {strides = array<i32>} : memref<26x256xi32, #tpu.memory_space<vmem>>, vector<1x16xi32>,
      %get3A_278 = vector.shape_cast %get3A_277 : vector<1x16xi32> to vector<16xi32>
      %ge3A_279 = arith.constant 0 : i32
      %ge3A_280 = vector.broadcast %ge3A_279 : i32 to vector<16xi32>
      %ge3A_281 = arith.cmpi sge, %get3A_278, %ge3A_280 : vector<16xi32>
      %le3A_282 = arith.constant 9 : i32
      %le3A_283 = vector.broadcast %le3A_282 : i32 to vector<16xi32>
      %le3A_284 = arith.cmpi sle, %get3A_278, %le3A_283 : vector<16xi32>
      %and3A_285 = arith.andi %ge3A_281, %le3A_284 : vector<16xi1>
      %add3A_286 = arith.constant 1 : i32
      %add3A_287 = vector.broadcast %add3A_286 : i32 to vector<16xi32>
      %add3A_288 = arith.addi %get3A_278, %add3A_287 : vector<16xi32>
      %jit3A_289 = arith.constant 0 : i32
      %broadcast_in_dim3A_290 = vector.broadcast %jit3A_289 : i32 to vector<16xi32>
      %select_n3A_291 = arith.select %and3A_285, %add3A_288, %broadcast_in_dim3A_290 : vector<16xi1>, vector<16xi32>
      %swap3A_292 = arith.constant 176 : i32
      %swap3A_293 = arith.index_cast %while3A_17 : i32 to index
      %swap3A_294 = arith.index_cast %swap3A_292 : i32 to index
      %swap3A_295 = tpu.vector_load %arg4[%swap3A_293, %swap3A_294] {strides = array<i32>} : memref<26x256xi32, #tpu.memory_space<vmem>>, vector<1x16xi32>,
      %swap3A_296 = vector.shape_cast %swap3A_295 : vector<1x16xi32> to vector<16xi32>
      %swap3A_297 = vector.shape_cast %select_n3A_291 : vector<16xi32> to vector<1x16xi32>
      tpu.vector_store %arg4[%swap3A_293, %swap3A_294], %swap3A_297 {strides = array<i32>} : memref<26x256xi32, #tpu.memory_space<vmem>>, vector<1x16xi32>,
      %get3A_298 = arith.constant 192 : i32
      %get3A_299 = arith.index_cast %while3A_17 : i32 to index
      %get3A_300 = arith.index_cast %get3A_298 : i32 to index
      %get3A_301 = tpu.vector_load %arg4[%get3A_299, %get3A_300] {strides = array<i32>} : memref<26x256xi32, #tpu.memory_space<vmem>>, vector<1x16xi32>,
      %get3A_302 = vector.shape_cast %get3A_301 : vector<1x16xi32> to vector<16xi32>
      %ge3A_303 = arith.constant 0 : i32
      %ge3A_304 = vector.broadcast %ge3A_303 : i32 to vector<16xi32>
      %ge3A_305 = arith.cmpi sge, %get3A_302, %ge3A_304 : vector<16xi32>
      %le3A_306 = arith.constant 9 : i32
      %le3A_307 = vector.broadcast %le3A_306 : i32 to vector<16xi32>
      %le3A_308 = arith.cmpi sle, %get3A_302, %le3A_307 : vector<16xi32>
      %and3A_309 = arith.andi %ge3A_305, %le3A_308 : vector<16xi1>
      %add3A_310 = arith.constant 1 : i32
      %add3A_311 = vector.broadcast %add3A_310 : i32 to vector<16xi32>
      %add3A_312 = arith.addi %get3A_302, %add3A_311 : vector<16xi32>
      %jit3A_313 = arith.constant 0 : i32
      %broadcast_in_dim3A_314 = vector.broadcast %jit3A_313 : i32 to vector<16xi32>
      %select_n3A_315 = arith.select %and3A_309, %add3A_312, %broadcast_in_dim3A_314 : vector<16xi1>, vector<16xi32>
      %swap3A_316 = arith.constant 192 : i32
      %swap3A_317 = arith.index_cast %while3A_17 : i32 to index
      %swap3A_318 = arith.index_cast %swap3A_316 : i32 to index
      %swap3A_319 = tpu.vector_load %arg4[%swap3A_317, %swap3A_318] {strides = array<i32>} : memref<26x256xi32, #tpu.memory_space<vmem>>, vector<1x16xi32>,
      %swap3A_320 = vector.shape_cast %swap3A_319 : vector<1x16xi32> to vector<16xi32>
      %swap3A_321 = vector.shape_cast %select_n3A_315 : vector<16xi32> to vector<1x16xi32>
      tpu.vector_store %arg4[%swap3A_317, %swap3A_318], %swap3A_321 {strides = array<i32>} : memref<26x256xi32, #tpu.memory_space<vmem>>, vector<1x16xi32>,
      %get3A_322 = arith.constant 208 : i32
      %get3A_323 = arith.index_cast %while3A_17 : i32 to index
      %get3A_324 = arith.index_cast %get3A_322 : i32 to index
      %get3A_325 = tpu.vector_load %arg4[%get3A_323, %get3A_324] {strides = array<i32>} : memref<26x256xi32, #tpu.memory_space<vmem>>, vector<1x16xi32>,
      %get3A_326 = vector.shape_cast %get3A_325 : vector<1x16xi32> to vector<16xi32>
      %ge3A_327 = arith.constant 0 : i32
      %ge3A_328 = vector.broadcast %ge3A_327 : i32 to vector<16xi32>
      %ge3A_329 = arith.cmpi sge, %get3A_326, %ge3A_328 : vector<16xi32>
      %le3A_330 = arith.constant 9 : i32
      %le3A_331 = vector.broadcast %le3A_330 : i32 to vector<16xi32>
      %le3A_332 = arith.cmpi sle, %get3A_326, %le3A_331 : vector<16xi32>
      %and3A_333 = arith.andi %ge3A_329, %le3A_332 : vector<16xi1>
      %add3A_334 = arith.constant 1 : i32
      %add3A_335 = vector.broadcast %add3A_334 : i32 to vector<16xi32>
      %add3A_336 = arith.addi %get3A_326, %add3A_335 : vector<16xi32>
      %jit3A_337 = arith.constant 0 : i32
      %broadcast_in_dim3A_338 = vector.broadcast %jit3A_337 : i32 to vector<16xi32>
      %select_n3A_339 = arith.select %and3A_333, %add3A_336, %broadcast_in_dim3A_338 : vector<16xi1>, vector<16xi32>
      %swap3A_340 = arith.constant 208 : i32
      %swap3A_341 = arith.index_cast %while3A_17 : i32 to index
      %swap3A_342 = arith.index_cast %swap3A_340 : i32 to index
      %swap3A_343 = tpu.vector_load %arg4[%swap3A_341, %swap3A_342] {strides = array<i32>} : memref<26x256xi32, #tpu.memory_space<vmem>>, vector<1x16xi32>,
      %swap3A_344 = vector.shape_cast %swap3A_343 : vector<1x16xi32> to vector<16xi32>
      %swap3A_345 = vector.shape_cast %select_n3A_339 : vector<16xi32> to vector<1x16xi32>
      tpu.vector_store %arg4[%swap3A_341, %swap3A_342], %swap3A_345 {strides = array<i32>} : memref<26x256xi32, #tpu.memory_space<vmem>>, vector<1x16xi32>,
      %get3A_346 = arith.constant 224 : i32
      %get3A_347 = arith.index_cast %while3A_17 : i32 to index
      %get3A_348 = arith.index_cast %get3A_346 : i32 to index
      %get3A_349 = tpu.vector_load %arg4[%get3A_347, %get3A_348] {strides = array<i32>} : memref<26x256xi32, #tpu.memory_space<vmem>>, vector<1x16xi32>,
      %get3A_350 = vector.shape_cast %get3A_349 : vector<1x16xi32> to vector<16xi32>
      %ge3A_351 = arith.constant 0 : i32
      %ge3A_352 = vector.broadcast %ge3A_351 : i32 to vector<16xi32>
      %ge3A_353 = arith.cmpi sge, %get3A_350, %ge3A_352 : vector<16xi32>
      %le3A_354 = arith.constant 9 : i32
      %le3A_355 = vector.broadcast %le3A_354 : i32 to vector<16xi32>
      %le3A_356 = arith.cmpi sle, %get3A_350, %le3A_355 : vector<16xi32>
      %and3A_357 = arith.andi %ge3A_353, %le3A_356 : vector<16xi1>
      %add3A_358 = arith.constant 1 : i32
      %add3A_359 = vector.broadcast %add3A_358 : i32 to vector<16xi32>
      %add3A_360 = arith.addi %get3A_350, %add3A_359 : vector<16xi32>
      %jit3A_361 = arith.constant 0 : i32
      %broadcast_in_dim3A_362 = vector.broadcast %jit3A_361 : i32 to vector<16xi32>
      %select_n3A_363 = arith.select %and3A_357, %add3A_360, %broadcast_in_dim3A_362 : vector<16xi1>, vector<16xi32>
      %swap3A_364 = arith.constant 224 : i32
      %swap3A_365 = arith.index_cast %while3A_17 : i32 to index
      %swap3A_366 = arith.index_cast %swap3A_364 : i32 to index
      %swap3A_367 = tpu.vector_load %arg4[%swap3A_365, %swap3A_366] {strides = array<i32>} : memref<26x256xi32, #tpu.memory_space<vmem>>, vector<1x16xi32>,
      %swap3A_368 = vector.shape_cast %swap3A_367 : vector<1x16xi32> to vector<16xi32>
      %swap3A_369 = vector.shape_cast %select_n3A_363 : vector<16xi32> to vector<1x16xi32>
      tpu.vector_store %arg4[%swap3A_365, %swap3A_366], %swap3A_369 {strides = array<i32>} : memref<26x256xi32, #tpu.memory_space<vmem>>, vector<1x16xi32>,
      %get3A_370 = arith.constant 240 : i32
      %get3A_371 = arith.index_cast %while3A_17 : i32 to index
      %get3A_372 = arith.index_cast %get3A_370 : i32 to index
      %get3A_373 = tpu.vector_load %arg4[%get3A_371, %get3A_372] {strides = array<i32>} : memref<26x256xi32, #tpu.memory_space<vmem>>, vector<1x16xi32>,
      %get3A_374 = vector.shape_cast %get3A_373 : vector<1x16xi32> to vector<16xi32>
      %ge3A_375 = arith.constant 0 : i32
      %ge3A_376 = vector.broadcast %ge3A_375 : i32 to vector<16xi32>
      %ge3A_377 = arith.cmpi sge, %get3A_374, %ge3A_376 : vector<16xi32>
      %le3A_378 = arith.constant 9 : i32
      %le3A_379 = vector.broadcast %le3A_378 : i32 to vector<16xi32>
      %le3A_380 = arith.cmpi sle, %get3A_374, %le3A_379 : vector<16xi32>
      %and3A_381 = arith.andi %ge3A_377, %le3A_380 : vector<16xi1>
      %add3A_382 = arith.constant 1 : i32
      %add3A_383 = vector.broadcast %add3A_382 : i32 to vector<16xi32>
      %add3A_384 = arith.addi %get3A_374, %add3A_383 : vector<16xi32>
      %jit3A_385 = arith.constant 0 : i32
      %broadcast_in_dim3A_386 = vector.broadcast %jit3A_385 : i32 to vector<16xi32>
      %select_n3A_387 = arith.select %and3A_381, %add3A_384, %broadcast_in_dim3A_386 : vector<16xi1>, vector<16xi32>
      %swap3A_388 = arith.constant 240 : i32
      %swap3A_389 = arith.index_cast %while3A_17 : i32 to index
      %swap3A_390 = arith.index_cast %swap3A_388 : i32 to index
      %swap3A_391 = tpu.vector_load %arg4[%swap3A_389, %swap3A_390] {strides = array<i32>} : memref<26x256xi32, #tpu.memory_space<vmem>>, vector<1x16xi32>,
      %swap3A_392 = vector.shape_cast %swap3A_391 : vector<1x16xi32> to vector<16xi32>
      %swap3A_393 = vector.shape_cast %select_n3A_387 : vector<16xi32> to vector<1x16xi32>
      tpu.vector_store %arg4[%swap3A_389, %swap3A_390], %swap3A_393 {strides = array<i32>} : memref<26x256xi32, #tpu.memory_space<vmem>>, vector<1x16xi32>,
    }
    %while3A_14 = arith.constant 1 : i32
    scf.for %while3A_17 = %while3A_12 to %while3A_8 step %while3A_14  : i32 {
      %get3A = arith.constant 0 : i32
      %get3A_18 = arith.index_cast %while3A_17 : i32 to index
      %get3A_19 = arith.index_cast %get3A : i32 to index
      %get3A_20 = tpu.vector_load %arg4[%get3A_18, %get3A_19] {strides = array<i32>} : memref<26x256xi32, #tpu.memory_space<vmem>>, vector<1x16xi32>,
      %get3A_21 = vector.shape_cast %get3A_20 : vector<1x16xi32> to vector<16xi32>
      %ge3A = arith.constant 0 : i32
      %ge3A_22 = vector.broadcast %ge3A : i32 to vector<16xi32>
      %ge3A_23 = arith.cmpi sge, %get3A_21, %ge3A_22 : vector<16xi32>
      %le3A = arith.constant 9 : i32
      %le3A_24 = vector.broadcast %le3A : i32 to vector<16xi32>
      %le3A_25 = arith.cmpi sle, %get3A_21, %le3A_24 : vector<16xi32>
      %and3A = arith.andi %ge3A_23, %le3A_25 : vector<16xi1>
      %add3A_26 = arith.constant 1 : i32
      %add3A_27 = vector.broadcast %add3A_26 : i32 to vector<16xi32>
      %add3A_28 = arith.addi %get3A_21, %add3A_27 : vector<16xi32>
      %jit3A = arith.constant 0 : i32
      %broadcast_in_dim3A = vector.broadcast %jit3A : i32 to vector<16xi32>
      %select_n3A = arith.select %and3A, %add3A_28, %broadcast_in_dim3A : vector<16xi1>, vector<16xi32>
      %swap3A = arith.constant 0 : i32
      %swap3A_29 = arith.index_cast %while3A_17 : i32 to index
      %swap3A_30 = arith.index_cast %swap3A : i32 to index
      %swap3A_31 = tpu.vector_load %arg4[%swap3A_29, %swap3A_30] {strides = array<i32>} : memref<26x256xi32, #tpu.memory_space<vmem>>, vector<1x16xi32>,
      %swap3A_32 = vector.shape_cast %swap3A_31 : vector<1x16xi32> to vector<16xi32>
      %swap3A_33 = vector.shape_cast %select_n3A : vector<16xi32> to vector<1x16xi32>
      tpu.vector_store %arg4[%swap3A_29, %swap3A_30], %swap3A_33 {strides = array<i32>} : memref<26x256xi32, #tpu.memory_space<vmem>>, vector<1x16xi32>,
      %get3A_34 = arith.constant 16 : i32
      %get3A_35 = arith.index_cast %while3A_17 : i32 to index
      %get3A_36 = arith.index_cast %get3A_34 : i32 to index
      %get3A_37 = tpu.vector_load %arg4[%get3A_35, %get3A_36] {strides = array<i32>} : memref<26x256xi32, #tpu.memory_space<vmem>>, vector<1x16xi32>,
      %get3A_38 = vector.shape_cast %get3A_37 : vector<1x16xi32> to vector<16xi32>
      %ge3A_39 = arith.constant 0 : i32
      %ge3A_40 = vector.broadcast %ge3A_39 : i32 to vector<16xi32>
      %ge3A_41 = arith.cmpi sge, %get3A_38, %ge3A_40 : vector<16xi32>
      %le3A_42 = arith.constant 9 : i32
      %le3A_43 = vector.broadcast %le3A_42 : i32 to vector<16xi32>
      %le3A_44 = arith.cmpi sle, %get3A_38, %le3A_43 : vector<16xi32>
      %and3A_45 = arith.andi %ge3A_41, %le3A_44 : vector<16xi1>
      %add3A_46 = arith.constant 1 : i32
      %add3A_47 = vector.broadcast %add3A_46 : i32 to vector<16xi32>
      %add3A_48 = arith.addi %get3A_38, %add3A_47 : vector<16xi32>
      %jit3A_49 = arith.constant 0 : i32
      %broadcast_in_dim3A_50 = vector.broadcast %jit3A_49 : i32 to vector<16xi32>
      %select_n3A_51 = arith.select %and3A_45, %add3A_48, %broadcast_in_dim3A_50 : vector<16xi1>, vector<16xi32>
      %swap3A_52 = arith.constant 16 : i32
      %swap3A_53 = arith.index_cast %while3A_17 : i32 to index
      %swap3A_54 = arith.index_cast %swap3A_52 : i32 to index
      %swap3A_55 = tpu.vector_load %arg4[%swap3A_53, %swap3A_54] {strides = array<i32>} : memref<26x256xi32, #tpu.memory_space<vmem>>, vector<1x16xi32>,
      %swap3A_56 = vector.shape_cast %swap3A_55 : vector<1x16xi32> to vector<16xi32>
      %swap3A_57 = vector.shape_cast %select_n3A_51 : vector<16xi32> to vector<1x16xi32>
      tpu.vector_store %arg4[%swap3A_53, %swap3A_54], %swap3A_57 {strides = array<i32>} : memref<26x256xi32, #tpu.memory_space<vmem>>, vector<1x16xi32>,
      %get3A_58 = arith.constant 32 : i32
      %get3A_59 = arith.index_cast %while3A_17 : i32 to index
      %get3A_60 = arith.index_cast %get3A_58 : i32 to index
      %get3A_61 = tpu.vector_load %arg4[%get3A_59, %get3A_60] {strides = array<i32>} : memref<26x256xi32, #tpu.memory_space<vmem>>, vector<1x16xi32>,
      %get3A_62 = vector.shape_cast %get3A_61 : vector<1x16xi32> to vector<16xi32>
      %ge3A_63 = arith.constant 0 : i32
      %ge3A_64 = vector.broadcast %ge3A_63 : i32 to vector<16xi32>
      %ge3A_65 = arith.cmpi sge, %get3A_62, %ge3A_64 : vector<16xi32>
      %le3A_66 = arith.constant 9 : i32
      %le3A_67 = vector.broadcast %le3A_66 : i32 to vector<16xi32>
      %le3A_68 = arith.cmpi sle, %get3A_62, %le3A_67 : vector<16xi32>
      %and3A_69 = arith.andi %ge3A_65, %le3A_68 : vector<16xi1>
      %add3A_70 = arith.constant 1 : i32
      %add3A_71 = vector.broadcast %add3A_70 : i32 to vector<16xi32>
      %add3A_72 = arith.addi %get3A_62, %add3A_71 : vector<16xi32>
      %jit3A_73 = arith.constant 0 : i32
      %broadcast_in_dim3A_74 = vector.broadcast %jit3A_73 : i32 to vector<16xi32>
      %select_n3A_75 = arith.select %and3A_69, %add3A_72, %broadcast_in_dim3A_74 : vector<16xi1>, vector<16xi32>
      %swap3A_76 = arith.constant 32 : i32
      %swap3A_77 = arith.index_cast %while3A_17 : i32 to index
      %swap3A_78 = arith.index_cast %swap3A_76 : i32 to index
      %swap3A_79 = tpu.vector_load %arg4[%swap3A_77, %swap3A_78] {strides = array<i32>} : memref<26x256xi32, #tpu.memory_space<vmem>>, vector<1x16xi32>,
      %swap3A_80 = vector.shape_cast %swap3A_79 : vector<1x16xi32> to vector<16xi32>
      %swap3A_81 = vector.shape_cast %select_n3A_75 : vector<16xi32> to vector<1x16xi32>
      tpu.vector_store %arg4[%swap3A_77, %swap3A_78], %swap3A_81 {strides = array<i32>} : memref<26x256xi32, #tpu.memory_space<vmem>>, vector<1x16xi32>,
      %get3A_82 = arith.constant 48 : i32
      %get3A_83 = arith.index_cast %while3A_17 : i32 to index
      %get3A_84 = arith.index_cast %get3A_82 : i32 to index
      %get3A_85 = tpu.vector_load %arg4[%get3A_83, %get3A_84] {strides = array<i32>} : memref<26x256xi32, #tpu.memory_space<vmem>>, vector<1x16xi32>,
      %get3A_86 = vector.shape_cast %get3A_85 : vector<1x16xi32> to vector<16xi32>
      %ge3A_87 = arith.constant 0 : i32
      %ge3A_88 = vector.broadcast %ge3A_87 : i32 to vector<16xi32>
      %ge3A_89 = arith.cmpi sge, %get3A_86, %ge3A_88 : vector<16xi32>
      %le3A_90 = arith.constant 9 : i32
      %le3A_91 = vector.broadcast %le3A_90 : i32 to vector<16xi32>
      %le3A_92 = arith.cmpi sle, %get3A_86, %le3A_91 : vector<16xi32>
      %and3A_93 = arith.andi %ge3A_89, %le3A_92 : vector<16xi1>
      %add3A_94 = arith.constant 1 : i32
      %add3A_95 = vector.broadcast %add3A_94 : i32 to vector<16xi32>
      %add3A_96 = arith.addi %get3A_86, %add3A_95 : vector<16xi32>
      %jit3A_97 = arith.constant 0 : i32
      %broadcast_in_dim3A_98 = vector.broadcast %jit3A_97 : i32 to vector<16xi32>
      %select_n3A_99 = arith.select %and3A_93, %add3A_96, %broadcast_in_dim3A_98 : vector<16xi1>, vector<16xi32>
      %swap3A_100 = arith.constant 48 : i32
      %swap3A_101 = arith.index_cast %while3A_17 : i32 to index
      %swap3A_102 = arith.index_cast %swap3A_100 : i32 to index
      %swap3A_103 = tpu.vector_load %arg4[%swap3A_101, %swap3A_102] {strides = array<i32>} : memref<26x256xi32, #tpu.memory_space<vmem>>, vector<1x16xi32>,
      %swap3A_104 = vector.shape_cast %swap3A_103 : vector<1x16xi32> to vector<16xi32>
      %swap3A_105 = vector.shape_cast %select_n3A_99 : vector<16xi32> to vector<1x16xi32>
      tpu.vector_store %arg4[%swap3A_101, %swap3A_102], %swap3A_105 {strides = array<i32>} : memref<26x256xi32, #tpu.memory_space<vmem>>, vector<1x16xi32>,
      %get3A_106 = arith.constant 64 : i32
      %get3A_107 = arith.index_cast %while3A_17 : i32 to index
      %get3A_108 = arith.index_cast %get3A_106 : i32 to index
      %get3A_109 = tpu.vector_load %arg4[%get3A_107, %get3A_108] {strides = array<i32>} : memref<26x256xi32, #tpu.memory_space<vmem>>, vector<1x16xi32>,
      %get3A_110 = vector.shape_cast %get3A_109 : vector<1x16xi32> to vector<16xi32>
      %ge3A_111 = arith.constant 0 : i32
      %ge3A_112 = vector.broadcast %ge3A_111 : i32 to vector<16xi32>
      %ge3A_113 = arith.cmpi sge, %get3A_110, %ge3A_112 : vector<16xi32>
      %le3A_114 = arith.constant 9 : i32
      %le3A_115 = vector.broadcast %le3A_114 : i32 to vector<16xi32>
      %le3A_116 = arith.cmpi sle, %get3A_110, %le3A_115 : vector<16xi32>
      %and3A_117 = arith.andi %ge3A_113, %le3A_116 : vector<16xi1>
      %add3A_118 = arith.constant 1 : i32
      %add3A_119 = vector.broadcast %add3A_118 : i32 to vector<16xi32>
      %add3A_120 = arith.addi %get3A_110, %add3A_119 : vector<16xi32>
      %jit3A_121 = arith.constant 0 : i32
      %broadcast_in_dim3A_122 = vector.broadcast %jit3A_121 : i32 to vector<16xi32>
      %select_n3A_123 = arith.select %and3A_117, %add3A_120, %broadcast_in_dim3A_122 : vector<16xi1>, vector<16xi32>
      %swap3A_124 = arith.constant 64 : i32
      %swap3A_125 = arith.index_cast %while3A_17 : i32 to index
      %swap3A_126 = arith.index_cast %swap3A_124 : i32 to index
      %swap3A_127 = tpu.vector_load %arg4[%swap3A_125, %swap3A_126] {strides = array<i32>} : memref<26x256xi32, #tpu.memory_space<vmem>>, vector<1x16xi32>,
      %swap3A_128 = vector.shape_cast %swap3A_127 : vector<1x16xi32> to vector<16xi32>
      %swap3A_129 = vector.shape_cast %select_n3A_123 : vector<16xi32> to vector<1x16xi32>
      tpu.vector_store %arg4[%swap3A_125, %swap3A_126], %swap3A_129 {strides = array<i32>} : memref<26x256xi32, #tpu.memory_space<vmem>>, vector<1x16xi32>,
      %get3A_130 = arith.constant 80 : i32
      %get3A_131 = arith.index_cast %while3A_17 : i32 to index
      %get3A_132 = arith.index_cast %get3A_130 : i32 to index
      %get3A_133 = tpu.vector_load %arg4[%get3A_131, %get3A_132] {strides = array<i32>} : memref<26x256xi32, #tpu.memory_space<vmem>>, vector<1x16xi32>,
      %get3A_134 = vector.shape_cast %get3A_133 : vector<1x16xi32> to vector<16xi32>
      %ge3A_135 = arith.constant 0 : i32
      %ge3A_136 = vector.broadcast %ge3A_135 : i32 to vector<16xi32>
      %ge3A_137 = arith.cmpi sge, %get3A_134, %ge3A_136 : vector<16xi32>
      %le3A_138 = arith.constant 9 : i32
      %le3A_139 = vector.broadcast %le3A_138 : i32 to vector<16xi32>
      %le3A_140 = arith.cmpi sle, %get3A_134, %le3A_139 : vector<16xi32>
      %and3A_141 = arith.andi %ge3A_137, %le3A_140 : vector<16xi1>
      %add3A_142 = arith.constant 1 : i32
      %add3A_143 = vector.broadcast %add3A_142 : i32 to vector<16xi32>
      %add3A_144 = arith.addi %get3A_134, %add3A_143 : vector<16xi32>
      %jit3A_145 = arith.constant 0 : i32
      %broadcast_in_dim3A_146 = vector.broadcast %jit3A_145 : i32 to vector<16xi32>
      %select_n3A_147 = arith.select %and3A_141, %add3A_144, %broadcast_in_dim3A_146 : vector<16xi1>, vector<16xi32>
      %swap3A_148 = arith.constant 80 : i32
      %swap3A_149 = arith.index_cast %while3A_17 : i32 to index
      %swap3A_150 = arith.index_cast %swap3A_148 : i32 to index
      %swap3A_151 = tpu.vector_load %arg4[%swap3A_149, %swap3A_150] {strides = array<i32>} : memref<26x256xi32, #tpu.memory_space<vmem>>, vector<1x16xi32>,
      %swap3A_152 = vector.shape_cast %swap3A_151 : vector<1x16xi32> to vector<16xi32>
      %swap3A_153 = vector.shape_cast %select_n3A_147 : vector<16xi32> to vector<1x16xi32>
      tpu.vector_store %arg4[%swap3A_149, %swap3A_150], %swap3A_153 {strides = array<i32>} : memref<26x256xi32, #tpu.memory_space<vmem>>, vector<1x16xi32>,
      %get3A_154 = arith.constant 96 : i32
      %get3A_155 = arith.index_cast %while3A_17 : i32 to index
      %get3A_156 = arith.index_cast %get3A_154 : i32 to index
      %get3A_157 = tpu.vector_load %arg4[%get3A_155, %get3A_156] {strides = array<i32>} : memref<26x256xi32, #tpu.memory_space<vmem>>, vector<1x16xi32>,
      %get3A_158 = vector.shape_cast %get3A_157 : vector<1x16xi32> to vector<16xi32>
      %ge3A_159 = arith.constant 0 : i32
      %ge3A_160 = vector.broadcast %ge3A_159 : i32 to vector<16xi32>
      %ge3A_161 = arith.cmpi sge, %get3A_158, %ge3A_160 : vector<16xi32>
      %le3A_162 = arith.constant 9 : i32
      %le3A_163 = vector.broadcast %le3A_162 : i32 to vector<16xi32>
      %le3A_164 = arith.cmpi sle, %get3A_158, %le3A_163 : vector<16xi32>
      %and3A_165 = arith.andi %ge3A_161, %le3A_164 : vector<16xi1>
      %add3A_166 = arith.constant 1 : i32
      %add3A_167 = vector.broadcast %add3A_166 : i32 to vector<16xi32>
      %add3A_168 = arith.addi %get3A_158, %add3A_167 : vector<16xi32>
      %jit3A_169 = arith.constant 0 : i32
      %broadcast_in_dim3A_170 = vector.broadcast %jit3A_169 : i32 to vector<16xi32>
      %select_n3A_171 = arith.select %and3A_165, %add3A_168, %broadcast_in_dim3A_170 : vector<16xi1>, vector<16xi32>
      %swap3A_172 = arith.constant 96 : i32
      %swap3A_173 = arith.index_cast %while3A_17 : i32 to index
      %swap3A_174 = arith.index_cast %swap3A_172 : i32 to index
      %swap3A_175 = tpu.vector_load %arg4[%swap3A_173, %swap3A_174] {strides = array<i32>} : memref<26x256xi32, #tpu.memory_space<vmem>>, vector<1x16xi32>,
      %swap3A_176 = vector.shape_cast %swap3A_175 : vector<1x16xi32> to vector<16xi32>
      %swap3A_177 = vector.shape_cast %select_n3A_171 : vector<16xi32> to vector<1x16xi32>
      tpu.vector_store %arg4[%swap3A_173, %swap3A_174], %swap3A_177 {strides = array<i32>} : memref<26x256xi32, #tpu.memory_space<vmem>>, vector<1x16xi32>,
      %get3A_178 = arith.constant 112 : i32
      %get3A_179 = arith.index_cast %while3A_17 : i32 to index
      %get3A_180 = arith.index_cast %get3A_178 : i32 to index
      %get3A_181 = tpu.vector_load %arg4[%get3A_179, %get3A_180] {strides = array<i32>} : memref<26x256xi32, #tpu.memory_space<vmem>>, vector<1x16xi32>,
      %get3A_182 = vector.shape_cast %get3A_181 : vector<1x16xi32> to vector<16xi32>
      %ge3A_183 = arith.constant 0 : i32
      %ge3A_184 = vector.broadcast %ge3A_183 : i32 to vector<16xi32>
      %ge3A_185 = arith.cmpi sge, %get3A_182, %ge3A_184 : vector<16xi32>
      %le3A_186 = arith.constant 9 : i32
      %le3A_187 = vector.broadcast %le3A_186 : i32 to vector<16xi32>
      %le3A_188 = arith.cmpi sle, %get3A_182, %le3A_187 : vector<16xi32>
      %and3A_189 = arith.andi %ge3A_185, %le3A_188 : vector<16xi1>
      %add3A_190 = arith.constant 1 : i32
      %add3A_191 = vector.broadcast %add3A_190 : i32 to vector<16xi32>
      %add3A_192 = arith.addi %get3A_182, %add3A_191 : vector<16xi32>
      %jit3A_193 = arith.constant 0 : i32
      %broadcast_in_dim3A_194 = vector.broadcast %jit3A_193 : i32 to vector<16xi32>
      %select_n3A_195 = arith.select %and3A_189, %add3A_192, %broadcast_in_dim3A_194 : vector<16xi1>, vector<16xi32>
      %swap3A_196 = arith.constant 112 : i32
      %swap3A_197 = arith.index_cast %while3A_17 : i32 to index
      %swap3A_198 = arith.index_cast %swap3A_196 : i32 to index
      %swap3A_199 = tpu.vector_load %arg4[%swap3A_197, %swap3A_198] {strides = array<i32>} : memref<26x256xi32, #tpu.memory_space<vmem>>, vector<1x16xi32>,
      %swap3A_200 = vector.shape_cast %swap3A_199 : vector<1x16xi32> to vector<16xi32>
      %swap3A_201 = vector.shape_cast %select_n3A_195 : vector<16xi32> to vector<1x16xi32>
      tpu.vector_store %arg4[%swap3A_197, %swap3A_198], %swap3A_201 {strides = array<i32>} : memref<26x256xi32, #tpu.memory_space<vmem>>, vector<1x16xi32>,
      %get3A_202 = arith.constant 128 : i32
      %get3A_203 = arith.index_cast %while3A_17 : i32 to index
      %get3A_204 = arith.index_cast %get3A_202 : i32 to index
      %get3A_205 = tpu.vector_load %arg4[%get3A_203, %get3A_204] {strides = array<i32>} : memref<26x256xi32, #tpu.memory_space<vmem>>, vector<1x16xi32>,
      %get3A_206 = vector.shape_cast %get3A_205 : vector<1x16xi32> to vector<16xi32>
      %ge3A_207 = arith.constant 0 : i32
      %ge3A_208 = vector.broadcast %ge3A_207 : i32 to vector<16xi32>
      %ge3A_209 = arith.cmpi sge, %get3A_206, %ge3A_208 : vector<16xi32>
      %le3A_210 = arith.constant 9 : i32
      %le3A_211 = vector.broadcast %le3A_210 : i32 to vector<16xi32>
      %le3A_212 = arith.cmpi sle, %get3A_206, %le3A_211 : vector<16xi32>
      %and3A_213 = arith.andi %ge3A_209, %le3A_212 : vector<16xi1>
      %add3A_214 = arith.constant 1 : i32
      %add3A_215 = vector.broadcast %add3A_214 : i32 to vector<16xi32>
      %add3A_216 = arith.addi %get3A_206, %add3A_215 : vector<16xi32>
      %jit3A_217 = arith.constant 0 : i32
      %broadcast_in_dim3A_218 = vector.broadcast %jit3A_217 : i32 to vector<16xi32>
      %select_n3A_219 = arith.select %and3A_213, %add3A_216, %broadcast_in_dim3A_218 : vector<16xi1>, vector<16xi32>
      %swap3A_220 = arith.constant 128 : i32
      %swap3A_221 = arith.index_cast %while3A_17 : i32 to index
      %swap3A_222 = arith.index_cast %swap3A_220 : i32 to index
      %swap3A_223 = tpu.vector_load %arg4[%swap3A_221, %swap3A_222] {strides = array<i32>} : memref<26x256xi32, #tpu.memory_space<vmem>>, vector<1x16xi32>,
      %swap3A_224 = vector.shape_cast %swap3A_223 : vector<1x16xi32> to vector<16xi32>
      %swap3A_225 = vector.shape_cast %select_n3A_219 : vector<16xi32> to vector<1x16xi32>
      tpu.vector_store %arg4[%swap3A_221, %swap3A_222], %swap3A_225 {strides = array<i32>} : memref<26x256xi32, #tpu.memory_space<vmem>>, vector<1x16xi32>,
      %get3A_226 = arith.constant 144 : i32
      %get3A_227 = arith.index_cast %while3A_17 : i32 to index
      %get3A_228 = arith.index_cast %get3A_226 : i32 to index
      %get3A_229 = tpu.vector_load %arg4[%get3A_227, %get3A_228] {strides = array<i32>} : memref<26x256xi32, #tpu.memory_space<vmem>>, vector<1x16xi32>,
      %get3A_230 = vector.shape_cast %get3A_229 : vector<1x16xi32> to vector<16xi32>
      %ge3A_231 = arith.constant 0 : i32
      %ge3A_232 = vector.broadcast %ge3A_231 : i32 to vector<16xi32>
      %ge3A_233 = arith.cmpi sge, %get3A_230, %ge3A_232 : vector<16xi32>
      %le3A_234 = arith.constant 9 : i32
      %le3A_235 = vector.broadcast %le3A_234 : i32 to vector<16xi32>
      %le3A_236 = arith.cmpi sle, %get3A_230, %le3A_235 : vector<16xi32>
      %and3A_237 = arith.andi %ge3A_233, %le3A_236 : vector<16xi1>
      %add3A_238 = arith.constant 1 : i32
      %add3A_239 = vector.broadcast %add3A_238 : i32 to vector<16xi32>
      %add3A_240 = arith.addi %get3A_230, %add3A_239 : vector<16xi32>
      %jit3A_241 = arith.constant 0 : i32
      %broadcast_in_dim3A_242 = vector.broadcast %jit3A_241 : i32 to vector<16xi32>
      %select_n3A_243 = arith.select %and3A_237, %add3A_240, %broadcast_in_dim3A_242 : vector<16xi1>, vector<16xi32>
      %swap3A_244 = arith.constant 144 : i32
      %swap3A_245 = arith.index_cast %while3A_17 : i32 to index
      %swap3A_246 = arith.index_cast %swap3A_244 : i32 to index
      %swap3A_247 = tpu.vector_load %arg4[%swap3A_245, %swap3A_246] {strides = array<i32>} : memref<26x256xi32, #tpu.memory_space<vmem>>, vector<1x16xi32>,
      %swap3A_248 = vector.shape_cast %swap3A_247 : vector<1x16xi32> to vector<16xi32>
      %swap3A_249 = vector.shape_cast %select_n3A_243 : vector<16xi32> to vector<1x16xi32>
      tpu.vector_store %arg4[%swap3A_245, %swap3A_246], %swap3A_249 {strides = array<i32>} : memref<26x256xi32, #tpu.memory_space<vmem>>, vector<1x16xi32>,
      %get3A_250 = arith.constant 160 : i32
      %get3A_251 = arith.index_cast %while3A_17 : i32 to index
      %get3A_252 = arith.index_cast %get3A_250 : i32 to index
      %get3A_253 = tpu.vector_load %arg4[%get3A_251, %get3A_252] {strides = array<i32>} : memref<26x256xi32, #tpu.memory_space<vmem>>, vector<1x16xi32>,
      %get3A_254 = vector.shape_cast %get3A_253 : vector<1x16xi32> to vector<16xi32>
      %ge3A_255 = arith.constant 0 : i32
      %ge3A_256 = vector.broadcast %ge3A_255 : i32 to vector<16xi32>
      %ge3A_257 = arith.cmpi sge, %get3A_254, %ge3A_256 : vector<16xi32>
      %le3A_258 = arith.constant 9 : i32
      %le3A_259 = vector.broadcast %le3A_258 : i32 to vector<16xi32>
      %le3A_260 = arith.cmpi sle, %get3A_254, %le3A_259 : vector<16xi32>
      %and3A_261 = arith.andi %ge3A_257, %le3A_260 : vector<16xi1>
      %add3A_262 = arith.constant 1 : i32
      %add3A_263 = vector.broadcast %add3A_262 : i32 to vector<16xi32>
      %add3A_264 = arith.addi %get3A_254, %add3A_263 : vector<16xi32>
      %jit3A_265 = arith.constant 0 : i32
      %broadcast_in_dim3A_266 = vector.broadcast %jit3A_265 : i32 to vector<16xi32>
      %select_n3A_267 = arith.select %and3A_261, %add3A_264, %broadcast_in_dim3A_266 : vector<16xi1>, vector<16xi32>
      %swap3A_268 = arith.constant 160 : i32
      %swap3A_269 = arith.index_cast %while3A_17 : i32 to index
      %swap3A_270 = arith.index_cast %swap3A_268 : i32 to index
      %swap3A_271 = tpu.vector_load %arg4[%swap3A_269, %swap3A_270] {strides = array<i32>} : memref<26x256xi32, #tpu.memory_space<vmem>>, vector<1x16xi32>,
      %swap3A_272 = vector.shape_cast %swap3A_271 : vector<1x16xi32> to vector<16xi32>
      %swap3A_273 = vector.shape_cast %select_n3A_267 : vector<16xi32> to vector<1x16xi32>
      tpu.vector_store %arg4[%swap3A_269, %swap3A_270], %swap3A_273 {strides = array<i32>} : memref<26x256xi32, #tpu.memory_space<vmem>>, vector<1x16xi32>,
      %get3A_274 = arith.constant 176 : i32
      %get3A_275 = arith.index_cast %while3A_17 : i32 to index
      %get3A_276 = arith.index_cast %get3A_274 : i32 to index
      %get3A_277 = tpu.vector_load %arg4[%get3A_275, %get3A_276] {strides = array<i32>} : memref<26x256xi32, #tpu.memory_space<vmem>>, vector<1x16xi32>,
      %get3A_278 = vector.shape_cast %get3A_277 : vector<1x16xi32> to vector<16xi32>
      %ge3A_279 = arith.constant 0 : i32
      %ge3A_280 = vector.broadcast %ge3A_279 : i32 to vector<16xi32>
      %ge3A_281 = arith.cmpi sge, %get3A_278, %ge3A_280 : vector<16xi32>
      %le3A_282 = arith.constant 9 : i32
      %le3A_283 = vector.broadcast %le3A_282 : i32 to vector<16xi32>
      %le3A_284 = arith.cmpi sle, %get3A_278, %le3A_283 : vector<16xi32>
      %and3A_285 = arith.andi %ge3A_281, %le3A_284 : vector<16xi1>
      %add3A_286 = arith.constant 1 : i32
      %add3A_287 = vector.broadcast %add3A_286 : i32 to vector<16xi32>
      %add3A_288 = arith.addi %get3A_278, %add3A_287 : vector<16xi32>
      %jit3A_289 = arith.constant 0 : i32
      %broadcast_in_dim3A_290 = vector.broadcast %jit3A_289 : i32 to vector<16xi32>
      %select_n3A_291 = arith.select %and3A_285, %add3A_288, %broadcast_in_dim3A_290 : vector<16xi1>, vector<16xi32>
      %swap3A_292 = arith.constant 176 : i32
      %swap3A_293 = arith.index_cast %while3A_17 : i32 to index
      %swap3A_294 = arith.index_cast %swap3A_292 : i32 to index
      %swap3A_295 = tpu.vector_load %arg4[%swap3A_293, %swap3A_294] {strides = array<i32>} : memref<26x256xi32, #tpu.memory_space<vmem>>, vector<1x16xi32>,
      %swap3A_296 = vector.shape_cast %swap3A_295 : vector<1x16xi32> to vector<16xi32>
      %swap3A_297 = vector.shape_cast %select_n3A_291 : vector<16xi32> to vector<1x16xi32>
      tpu.vector_store %arg4[%swap3A_293, %swap3A_294], %swap3A_297 {strides = array<i32>} : memref<26x256xi32, #tpu.memory_space<vmem>>, vector<1x16xi32>,
      %get3A_298 = arith.constant 192 : i32
      %get3A_299 = arith.index_cast %while3A_17 : i32 to index
      %get3A_300 = arith.index_cast %get3A_298 : i32 to index
      %get3A_301 = tpu.vector_load %arg4[%get3A_299, %get3A_300] {strides = array<i32>} : memref<26x256xi32, #tpu.memory_space<vmem>>, vector<1x16xi32>,
      %get3A_302 = vector.shape_cast %get3A_301 : vector<1x16xi32> to vector<16xi32>
      %ge3A_303 = arith.constant 0 : i32
      %ge3A_304 = vector.broadcast %ge3A_303 : i32 to vector<16xi32>
      %ge3A_305 = arith.cmpi sge, %get3A_302, %ge3A_304 : vector<16xi32>
      %le3A_306 = arith.constant 9 : i32
      %le3A_307 = vector.broadcast %le3A_306 : i32 to vector<16xi32>
      %le3A_308 = arith.cmpi sle, %get3A_302, %le3A_307 : vector<16xi32>
      %and3A_309 = arith.andi %ge3A_305, %le3A_308 : vector<16xi1>
      %add3A_310 = arith.constant 1 : i32
      %add3A_311 = vector.broadcast %add3A_310 : i32 to vector<16xi32>
      %add3A_312 = arith.addi %get3A_302, %add3A_311 : vector<16xi32>
      %jit3A_313 = arith.constant 0 : i32
      %broadcast_in_dim3A_314 = vector.broadcast %jit3A_313 : i32 to vector<16xi32>
      %select_n3A_315 = arith.select %and3A_309, %add3A_312, %broadcast_in_dim3A_314 : vector<16xi1>, vector<16xi32>
      %swap3A_316 = arith.constant 192 : i32
      %swap3A_317 = arith.index_cast %while3A_17 : i32 to index
      %swap3A_318 = arith.index_cast %swap3A_316 : i32 to index
      %swap3A_319 = tpu.vector_load %arg4[%swap3A_317, %swap3A_318] {strides = array<i32>} : memref<26x256xi32, #tpu.memory_space<vmem>>, vector<1x16xi32>,
      %swap3A_320 = vector.shape_cast %swap3A_319 : vector<1x16xi32> to vector<16xi32>
      %swap3A_321 = vector.shape_cast %select_n3A_315 : vector<16xi32> to vector<1x16xi32>
      tpu.vector_store %arg4[%swap3A_317, %swap3A_318], %swap3A_321 {strides = array<i32>} : memref<26x256xi32, #tpu.memory_space<vmem>>, vector<1x16xi32>,
      %get3A_322 = arith.constant 208 : i32
      %get3A_323 = arith.index_cast %while3A_17 : i32 to index
      %get3A_324 = arith.index_cast %get3A_322 : i32 to index
      %get3A_325 = tpu.vector_load %arg4[%get3A_323, %get3A_324] {strides = array<i32>} : memref<26x256xi32, #tpu.memory_space<vmem>>, vector<1x16xi32>,
      %get3A_326 = vector.shape_cast %get3A_325 : vector<1x16xi32> to vector<16xi32>
      %ge3A_327 = arith.constant 0 : i32
      %ge3A_328 = vector.broadcast %ge3A_327 : i32 to vector<16xi32>
      %ge3A_329 = arith.cmpi sge, %get3A_326, %ge3A_328 : vector<16xi32>
      %le3A_330 = arith.constant 9 : i32
      %le3A_331 = vector.broadcast %le3A_330 : i32 to vector<16xi32>
      %le3A_332 = arith.cmpi sle, %get3A_326, %le3A_331 : vector<16xi32>
      %and3A_333 = arith.andi %ge3A_329, %le3A_332 : vector<16xi1>
      %add3A_334 = arith.constant 1 : i32
      %add3A_335 = vector.broadcast %add3A_334 : i32 to vector<16xi32>
      %add3A_336 = arith.addi %get3A_326, %add3A_335 : vector<16xi32>
      %jit3A_337 = arith.constant 0 : i32
      %broadcast_in_dim3A_338 = vector.broadcast %jit3A_337 : i32 to vector<16xi32>
      %select_n3A_339 = arith.select %and3A_333, %add3A_336, %broadcast_in_dim3A_338 : vector<16xi1>, vector<16xi32>
      %swap3A_340 = arith.constant 208 : i32
      %swap3A_341 = arith.index_cast %while3A_17 : i32 to index
      %swap3A_342 = arith.index_cast %swap3A_340 : i32 to index
      %swap3A_343 = tpu.vector_load %arg4[%swap3A_341, %swap3A_342] {strides = array<i32>} : memref<26x256xi32, #tpu.memory_space<vmem>>, vector<1x16xi32>,
      %swap3A_344 = vector.shape_cast %swap3A_343 : vector<1x16xi32> to vector<16xi32>
      %swap3A_345 = vector.shape_cast %select_n3A_339 : vector<16xi32> to vector<1x16xi32>
      tpu.vector_store %arg4[%swap3A_341, %swap3A_342], %swap3A_345 {strides = array<i32>} : memref<26x256xi32, #tpu.memory_space<vmem>>, vector<1x16xi32>,
      %get3A_346 = arith.constant 224 : i32
      %get3A_347 = arith.index_cast %while3A_17 : i32 to index
      %get3A_348 = arith.index_cast %get3A_346 : i32 to index
      %get3A_349 = tpu.vector_load %arg4[%get3A_347, %get3A_348] {strides = array<i32>} : memref<26x256xi32, #tpu.memory_space<vmem>>, vector<1x16xi32>,
      %get3A_350 = vector.shape_cast %get3A_349 : vector<1x16xi32> to vector<16xi32>
      %ge3A_351 = arith.constant 0 : i32
      %ge3A_352 = vector.broadcast %ge3A_351 : i32 to vector<16xi32>
      %ge3A_353 = arith.cmpi sge, %get3A_350, %ge3A_352 : vector<16xi32>
      %le3A_354 = arith.constant 9 : i32
      %le3A_355 = vector.broadcast %le3A_354 : i32 to vector<16xi32>
      %le3A_356 = arith.cmpi sle, %get3A_350, %le3A_355 : vector<16xi32>
      %and3A_357 = arith.andi %ge3A_353, %le3A_356 : vector<16xi1>
      %add3A_358 = arith.constant 1 : i32
      %add3A_359 = vector.broadcast %add3A_358 : i32 to vector<16xi32>
      %add3A_360 = arith.addi %get3A_350, %add3A_359 : vector<16xi32>
      %jit3A_361 = arith.constant 0 : i32
      %broadcast_in_dim3A_362 = vector.broadcast %jit3A_361 : i32 to vector<16xi32>
      %select_n3A_363 = arith.select %and3A_357, %add3A_360, %broadcast_in_dim3A_362 : vector<16xi1>, vector<16xi32>
      %swap3A_364 = arith.constant 224 : i32
      %swap3A_365 = arith.index_cast %while3A_17 : i32 to index
      %swap3A_366 = arith.index_cast %swap3A_364 : i32 to index
      %swap3A_367 = tpu.vector_load %arg4[%swap3A_365, %swap3A_366] {strides = array<i32>} : memref<26x256xi32, #tpu.memory_space<vmem>>, vector<1x16xi32>,
      %swap3A_368 = vector.shape_cast %swap3A_367 : vector<1x16xi32> to vector<16xi32>
      %swap3A_369 = vector.shape_cast %select_n3A_363 : vector<16xi32> to vector<1x16xi32>
      tpu.vector_store %arg4[%swap3A_365, %swap3A_366], %swap3A_369 {strides = array<i32>} : memref<26x256xi32, #tpu.memory_space<vmem>>, vector<1x16xi32>,
      %get3A_370 = arith.constant 240 : i32
      %get3A_371 = arith.index_cast %while3A_17 : i32 to index
      %get3A_372 = arith.index_cast %get3A_370 : i32 to index
      %get3A_373 = tpu.vector_load %arg4[%get3A_371, %get3A_372] {strides = array<i32>} : memref<26x256xi32, #tpu.memory_space<vmem>>, vector<1x16xi32>,
      %get3A_374 = vector.shape_cast %get3A_373 : vector<1x16xi32> to vector<16xi32>
      %ge3A_375 = arith.constant 0 : i32
      %ge3A_376 = vector.broadcast %ge3A_375 : i32 to vector<16xi32>
      %ge3A_377 = arith.cmpi sge, %get3A_374, %ge3A_376 : vector<16xi32>
      %le3A_378 = arith.constant 9 : i32
      %le3A_379 = vector.broadcast %le3A_378 : i32 to vector<16xi32>
      %le3A_380 = arith.cmpi sle, %get3A_374, %le3A_379 : vector<16xi32>
      %and3A_381 = arith.andi %ge3A_377, %le3A_380 : vector<16xi1>
      %add3A_382 = arith.constant 1 : i32
      %add3A_383 = vector.broadcast %add3A_382 : i32 to vector<16xi32>
      %add3A_384 = arith.addi %get3A_374, %add3A_383 : vector<16xi32>
      %jit3A_385 = arith.constant 0 : i32
      %broadcast_in_dim3A_386 = vector.broadcast %jit3A_385 : i32 to vector<16xi32>
      %select_n3A_387 = arith.select %and3A_381, %add3A_384, %broadcast_in_dim3A_386 : vector<16xi1>, vector<16xi32>
      %swap3A_388 = arith.constant 240 : i32
      %swap3A_389 = arith.index_cast %while3A_17 : i32 to index
      %swap3A_390 = arith.index_cast %swap3A_388 : i32 to index
      %swap3A_391 = tpu.vector_load %arg4[%swap3A_389, %swap3A_390] {strides = array<i32>} : memref<26x256xi32, #tpu.memory_space<vmem>>, vector<1x16xi32>,
      %swap3A_392 = vector.shape_cast %swap3A_391 : vector<1x16xi32> to vector<16xi32>
      %swap3A_393 = vector.shape_cast %select_n3A_387 : vector<16xi32> to vector<1x16xi32>
      tpu.vector_store %arg4[%swap3A_389, %swap3A_390], %swap3A_393 {strides = array<i32>} : memref<26x256xi32, #tpu.memory_space<vmem>>, vector<1x16xi32>,
    }
    %mul3A_15 = arith.constant 256 : i32
    %mul3A_16 = arith.muli %add3A, %mul3A_15 : i32
    "tpu.region"() ({
      %run_scoped3A = tpu.sem_alloc : memref<!tpu.dma_semaphore, #tpu.memory_space<semaphore_mem>>
      %dma_start3A = arith.constant 0 : i32
      %dma_start3A_17 = tpu.memref_slice %arg3[%dma_start3A, %mul3A_16] : memref<26x4096xi32, #tpu.memory_space<hbm>> -> memref<26x256xi32, #tpu.memory_space<hbm>>
      %dma_start3A_18 = arith.constant 0 : i32
      %dma_start3A_19 = tpu.memref_slice %arg3[%dma_start3A_18, %mul3A_16] : memref<26x4096xi32, #tpu.memory_space<hbm>> -> memref<26x256xi32, #tpu.memory_space<hbm>>
      tpu.enqueue_dma source(%arg4 : memref<26x256xi32, #tpu.memory_space<vmem>>) target(%dma_start3A_19 : memref<26x256xi32, #tpu.memory_space<hbm>>) target_semaphore(%run_scoped3A : memref<!tpu.dma_semaphore, #tpu.memory_space<semaphore_mem>>)
      %dma_wait3A = arith.constant 0 : i32
      %dma_wait3A_20 = tpu.memref_slice %arg3[%dma_wait3A, %mul3A_16] : memref<26x4096xi32, #tpu.memory_space<hbm>> -> memref<26x256xi32, #tpu.memory_space<hbm>>
      %dma_wait3A_21 = arith.constant 0 : i32
      %dma_wait3A_22 = tpu.memref_slice %arg3[%dma_wait3A_21, %mul3A_16] : memref<26x4096xi32, #tpu.memory_space<hbm>> -> memref<26x256xi32, #tpu.memory_space<hbm>>
      tpu.wait_dma2 semaphore(%run_scoped3A : memref<!tpu.dma_semaphore, #tpu.memory_space<semaphore_mem>>) src(%arg4 : memref<26x256xi32, #tpu.memory_space<vmem>>) dst(%dma_wait3A_22 : memref<26x256xi32, #tpu.memory_space<hbm>>)
      tpu.yield
    }) : () -> ()
    return
  }
}

module attributes {stable_mosaic.version = 14 : i64} {
  func.func @_tc_body(%arg0: i32, %arg1: memref<26x2048xi32, #tpu.memory_space<vmem>>, %arg2: memref<26x2048xi32, #tpu.memory_space<vmem>>) attributes {dimension_semantics = [#tpu.dimension_semantics<arbitrary>], iteration_bounds = array<i64: 6>, scalar_prefetch = 0 : i64, scratch_operands = 0 : i64, tpu.core_type = #tpu.core_type<tc>, window_params = [{transform_indices = @transform_0, window_bounds = array<i64: 26, 2048>}, {transform_indices = @transform_1, window_bounds = array<i64: 26, 2048>}]} {
    %get3A = arith.constant 0 : index
    %get3A_0 = arith.constant 0 : index
    %get3A_1 = vector.load %arg1[%get3A, %get3A_0] : memref<26x2048xi32, #tpu.memory_space<vmem>>, vector<26x2048xi32>
    %ge3A = arith.constant 0 : i32
    %ge3A_2 = vector.broadcast %ge3A : i32 to vector<26x2048xi32>
    %ge3A_3 = arith.cmpi sge, %get3A_1, %ge3A_2 : vector<26x2048xi32>
    %le3A = arith.constant 9 : i32
    %le3A_4 = vector.broadcast %le3A : i32 to vector<26x2048xi32>
    %le3A_5 = arith.cmpi sle, %get3A_1, %le3A_4 : vector<26x2048xi32>
    %and3A = arith.andi %ge3A_3, %le3A_5 : vector<26x2048xi1>
    %add3A = arith.constant 1 : i32
    %add3A_6 = vector.broadcast %add3A : i32 to vector<26x2048xi32>
    %add3A_7 = arith.addi %get3A_1, %add3A_6 : vector<26x2048xi32>
    %jit3A = arith.constant 0 : i64
    %convert_element_type3A = arith.trunci %jit3A : i64 to i32
    %broadcast_in_dim3A = vector.broadcast %convert_element_type3A : i32 to vector<26x2048xi32>
    %select_n3A = arith.select %and3A, %add3A_7, %broadcast_in_dim3A : vector<26x2048xi1>, vector<26x2048xi32>
    %swap3A = arith.constant 0 : index
    %swap3A_8 = arith.constant 0 : index
    %swap3A_9 = vector.load %arg2[%swap3A, %swap3A_8] : memref<26x2048xi32, #tpu.memory_space<vmem>>, vector<26x2048xi32>
    tpu.vector_store %arg2[%swap3A, %swap3A_8], %select_n3A {strides = array<i32>} : memref<26x2048xi32, #tpu.memory_space<vmem>>, vector<26x2048xi32>,
    return
  }
  func.func @transform_0(%arg0: i32) -> (i32, i32) {
    %c0_i32 = arith.constant 0 : i32
    %c0_i32_0 = arith.constant 0 : i32
    return %c0_i32, %arg0 : i32, i32
  }
  func.func @transform_1(%arg0: i32) -> (i32, i32) {
    %c0_i32 = arith.constant 0 : i32
    %c0_i32_0 = arith.constant 0 : i32
    return %c0_i32, %arg0 : i32, i32
  }
}

</mosaic_0001>

<sc_bundles>
// kernel: kernel.4.cloned.1.call-start
scs
__scs_entry_jumppad:
0x0: {  	(pc) =	sbr.rel $0x88, $3  }
0x1: {  	(tag) =	ssettag $0x0;
	lr =	simm.s32 $0x1  }
0x2: {  	[smem:$0x3FA0] =	sst lr;
	_ =	strace $0xD0000000  }
0x3: {  	_ = 	snop  }
0x4: {  	_ = 	snop  }
0x5: {  	_ = 	snop  }
0x6: {  	_ = 	snop  }
0x7: {  	_ = 	snop  }
__scs_overlays_trampoline_lowered:
0x8: {  	[smem:$0x3FAF] =	sst s0  }
0x9: {  	[smem:$0x3FB0] =	sst s1  }
0xa: {  	[smem:$0x3FB1] =	sst s2  }
0xb: {  	[smem:$0x3FB2] =	sst s3  }
0xc: {  	[smem:$0x3FB3] =	sst s4  }
0xd: {  	[smem:$0x3FB4] =	sst s5  }
0xe: {  	[smem:$0x3FB5] =	sst s6  }
0xf: {  	[smem:$0x3FB6] =	sst s7  }
0x10: {  	[smem:$0x3FB7] =	sst s8  }
0x11: {  	[smem:$0x3FB8] =	sst s9;
	s0 =	simm.s32 @!p0 $0x0  }
0x12: {  	s1 =	sld [smem:$0x3F9E];
	s0 =	simm.s32 @p0 $0x1  }
0x13: {  	[smem:$0x3FB9] =	sst s0;
	s0 =	simm.s32 @!p1 $0x0  }
0x14: {  	s2 =	sld [smem:$0x3F9D];
	s0 =	simm.s32 @p1 $0x1  }
0x15: {  	[smem:$0x3FBA] =	sst s0;
	s0 =	simm.s32 @!p2 $0x0  }
0x16: {  	s3 =	sld [smem:$0x3FDB];
	s0 =	simm.s32 @p2 $0x1  }
0x17: {  	s4 =	simm.s32 $0x1BF5;
	[smem:$0x3FBC] =	sst s0  }
0x18: {  	s0 =	sld [smem:$0x3F9F];
	_ =	swait.ge [sflag:s4], $0x0  }
0x19: {  	s7 =	sld [smem:$0x3FA0]  }
0x1a: {  	s8 =	sadd.s32 $0xFFFFE003, lr  }
0x1b: {  	s9 =	sadd.s32 $0xFFFFFEF7, lr;
	s5 =	simm.s32 $0xFFFFFFFF;
	p2 =	slt.u32 s8, $0xFFFFF086  }
0x1c: {  	p1 =	slt.u32 s9, $0xF7A;
	s5 =	simm.s32 @!p2 $0x0  }
0x1d: {  	s5 =	simm.s32 @p1 $0x1;
	p0 =	seq.s32 s7, s2  }
0x1e: {  	s7 =	smul.u32 @!p0 $0xF7A, s2;
	p2 =	seq.s32 @!p0 s5, $0x0  }
0x1f: {  	s9 =	smul.u32 $0xF7A, s1;
	s8 =	simm.s32 @!p0 $0x1BF5;
	p2 =	por !p2, p0  }
0x20: {  	[sflag:s8] =	ssyncset.s32 @!p0 $0xFFFFF086;
	s6 =	sadd.s32 @!p0 s3, s7;
	s7 =	simm.s32 @!p0 $0x108  }
0x21: {  	s3 =	sadd.s32 s3, s9;
	s6 =	sadd.s32 @!p0 $0x88, s6;
	s7 =	simm.s32 @p2 $0x1082  }
0x22: {  	[simem:s7], [sflag:s8] =	dma.local @!p0 [hbm:s6], $0xF7A  }
0x23: {  	s9 =	sor.u32 $0xD0000000, s2;
	s6 =	simm.s32 $0x108;
	_ =	swait.ge @!p0 [sflag:s8], $0x0  }
0x24: {  	s3 =	sadd.s32 $0x88, s3;
	s6 =	simm.s32 @!p1 $0x1082;
	[sflag:s4] =	ssyncset.s32 $0xFFFFF086  }
0x25: {  	[simem:s6], [sflag:s4] =	dma.local [hbm:s3], $0xF7A  }
0x26: {  	[smem:$0x3FA0] =	sst s1;
	(tag) =	ssettag s2;
	_ =	strace s9  }
0x27: {  	s1 =	sld [smem:$0x3FB0]  }
0x28: {  	s2 =	sld [smem:$0x3FB1]  }
0x29: {  	s4 =	sld [smem:$0x3FB3]  }
0x2a: {  	p0 =	seq.s32 s5, $0x0;
	s5 =	sld [smem:$0x3FB4]  }
0x2b: {  	s6 =	sld [smem:$0x3FB5]  }
0x2c: {  	s7 =	sld [smem:$0x3FB6]  }
0x2d: {  	s3 =	simm.s32 $0x108;
	s8 =	sld [smem:$0x3FB7]  }
0x2e: {  	s3 =	simm.s32 @!p0 $0x1082;
	s9 =	sld [smem:$0x3FB8]  }
0x2f: {  	lr =	sadd.s32 s0, s3;
	s0 =	sld [smem:$0x3FAF]  }
0x30: {  	s3 =	sld [smem:$0x3FB2]  }
0x31: {  	[smem:$0x3FBB] =	sst s10  }
0x32: {  	s10 =	sld [smem:$0x3FB9];
	_ =	sdelay $0x3  }
0x33: {  	p0 =	seq.s32 s10, $0x1;
	s10 =	sld [smem:$0x3FBB];
	_ =	sdelay $0x3  }
0x34: {  	[smem:$0x3FBB] =	sst s10  }
0x35: {  	s10 =	sld [smem:$0x3FBA];
	_ =	sdelay $0x3  }
0x36: {  	p1 =	seq.s32 s10, $0x1;
	s10 =	sld [smem:$0x3FBB];
	_ =	sdelay $0x3  }
0x37: {  	[smem:$0x3FBB] =	sst s10  }
0x38: {  	s10 =	sld [smem:$0x3FBC]  }
0x39: {  	_ = 	snop;
	(pc) =	sbr.ind lr, $3  }
0x3a: {  	_ = 	snop  }
0x3b: {  	_ = 	snop  }
0x3c: {  	p2 =	seq.s32 s10, $0x1;
	s10 =	sld [smem:$0x3FBB]  }
0x3d: {  	_ =	shalt  }
0x3e: {  	_ =	shalt  }
0x3f: {  	_ =	shalt  }
0x40: {  	_ =	shalt  }
0x41: {  	_ =	shalt  }
0x42: {  	_ =	shalt  }
0x43: {  	_ =	shalt  }
0x44: {  	_ =	shalt  }
0x45: {  	_ =	shalt  }
0x46: {  	_ =	shalt  }
0x47: {  	_ =	shalt  }
0x48: {  	_ =	shalt  }
0x49: {  	_ =	shalt  }
0x4a: {  	_ =	shalt  }
0x4b: {  	_ =	shalt  }
0x4c: {  	_ =	shalt  }
0x4d: {  	_ =	shalt  }
0x4e: {  	_ =	shalt  }
0x4f: {  	_ =	shalt  }
0x50: {  	_ =	shalt  }
0x51: {  	_ =	shalt  }
0x52: {  	_ =	shalt  }
0x53: {  	_ =	shalt  }
0x54: {  	_ =	shalt  }
0x55: {  	_ =	shalt  }
0x56: {  	_ =	shalt  }
0x57: {  	_ =	shalt  }
0x58: {  	_ =	shalt  }
0x59: {  	_ =	shalt  }
0x5a: {  	_ =	shalt  }
0x5b: {  	_ =	shalt  }
0x5c: {  	_ =	shalt  }
0x5d: {  	_ =	shalt  }
0x5e: {  	_ =	shalt  }
0x5f: {  	_ =	shalt  }
0x60: {  	_ =	shalt  }
0x61: {  	_ =	shalt  }
0x62: {  	_ =	shalt  }
0x63: {  	_ =	shalt  }
0x64: {  	_ =	shalt  }
0x65: {  	_ =	shalt  }
0x66: {  	_ =	shalt  }
0x67: {  	_ =	shalt  }
0x68: {  	_ =	shalt  }
0x69: {  	_ =	shalt  }
0x6a: {  	_ =	shalt  }
0x6b: {  	_ =	shalt  }
0x6c: {  	_ =	shalt  }
0x6d: {  	_ =	shalt  }
0x6e: {  	_ =	shalt  }
0x6f: {  	_ =	shalt  }
0x70: {  	_ =	shalt  }
0x71: {  	_ =	shalt  }
0x72: {  	_ =	shalt  }
0x73: {  	_ =	shalt  }
0x74: {  	_ =	shalt  }
0x75: {  	_ =	shalt  }
0x76: {  	_ =	shalt  }
0x77: {  	_ =	shalt  }
0x78: {  	_ =	shalt  }
0x79: {  	_ =	shalt  }
0x7a: {  	_ =	shalt  }
0x7b: {  	_ =	shalt  }
0x7c: {  	_ =	shalt  }
0x7d: {  	_ =	shalt  }
0x7e: {  	_ =	shalt  }
0x7f: {  	_ =	shalt  }
0x80: {  	_ =	shalt  }
0x81: {  	_ =	shalt  }
0x82: {  	_ =	shalt  }
0x83: {  	_ =	shalt  }
0x84: {  	_ =	shalt  }
0x85: {  	_ =	shalt  }
0x86: {  	_ =	shalt  }
0x87: {  	_ =	shalt  }
.Lfunc_end0:
.L_simem_size_0:
called_computation_lowered:
.L_overlay_start_0:
0x88: {  	s0 =	sld [smem:$0x3FD9]  }
0x89: {  	s1 =	sld [smem:$0x3FFE];
	_ =	sdelay $0x3  }
0x8a: {  	s0 =	sadd.s32 s1, s0  }
0x8b: {  	[smem:$0x3FC7] =	sst s0  }
0x8c: {  	_ = 	snop  }
0x8d: {  	s0 =	sld [smem:$0x3FD0];
	(tm) =	ssettm $0x1  }
0x8e: {  	s16 =	sld [smem:$0x3FFB];
	_ =	sdelay $0x3  }
0x8f: {  	_ =	strace s16  }
0x90: {  	s1 =	sld [smem:$0x3FFC];
	_ =	sdelay $0x3  }
0x91: {  	_ =	strace s1  }
0x92: {  	s1 =	sld [smem:$0x3FFD];
	_ =	sdelay $0x3  }
0x93: {  	_ =	strace s1  }
0x94: {  	_ =	strace $0x8FFFFFFF  }
0x95: {  	s17 =	sld [smem:$0x3FDB];
	_ =	sdelay $0x1  }
0x96: {  	s2 =	simm.s32 $_scs_section_size  }
0x97: {  	s3 =	simm.s32 $_size__tile_overlayer_lowered;
	s4 =	simm.s32 $_tile_overlayer_lowered  }
0x98: {  	s20 =	simm.s32 $0x1BFF;
	s19 =	sshll.u32 s4, $0x1;
	s1 =	sadd.s32 s2, s17  }
0x99: {  	s5 =	simm.s32 $0x0;
	s18 =	sshll.u32 s3, $0x1;
	s3 =	sadd.s32 s19, s1  }
0x9a: {  	[timem:s5], [sflag:s20] =	dma.local [hbm:s3], s18  }
0x9b: {  	_ =	swait.ge [sflag:s20], s18  }
0x9c: {  	s2 =	ssub.s32 $0x0, s18;
	[sflag:s20] =	ssyncset.done $0x0  }
0x9d: {  	[sflag:s20] =	ssyncadd.s32 s2;
	_ =	sdelay $0x1  }
0x9e: {  	s21 =	simm.s32 $0x1B8B  }
0x9f: {  	_ =	swait.ge [sflag:s21], $0x1  }
0xa0: {  	[sflag:s21] =	ssyncset.done $0x0  }
0xa1: {  	s23 =	simm.s32 $0x1B8E;
	s22 =	sld [smem:$0x3FFE];
	[sflag:s21] =	ssyncadd.s32 $0xFFFFFFFF  }
0xa2: {  	s24 =	simm.s32 $execute0_lowered;
	[smem:$0x3FD2] =	sst s23  }
0xa3: {  	s3 =	sshll.u32 s24, $0x1;
	_ =	strace $0x80000046;
	[dreg:$0x1] =	wrdreg $0xFFFFFFFF  }
0xa4: {  	s25 =	simm.s32 $_size_execute0_lowered;
	s1 =	sadd.s32 s1, s3;
	[dreg:$0x0] =	wrdreg $0x0  }
0xa5: {  	s3 =	sshll.u32 s25, $0x1;
	[dreg:$0x2] =	wrdreg s1  }
0xa6: {  	[dreg:$0x3] =	wrdreg s3  }
0xa7: {  	[dreg:$0x4] =	wrdreg $0xC0  }
0xa8: {  	_ =	task [dreg:s5], $0x5FFFF  }
0xa9: {  	[dreg:$0x1] =	wrdreg $0xFFFFFFFF  }
0xaa: {  	[dreg:$0x0] =	wrdreg $0x60  }
0xab: {  	[dreg:$0x2] =	wrdreg s0  }
0xac: {  	[dreg:$0x3] =	wrdreg s22  }
0xad: {  	[dreg:$0x4] =	wrdreg $0x9  }
0xae: {  	_ =	task.clear_ibuf [dreg:s5], $0x5FFFF;
	_ =	strace $0x90000046  }
0xaf: {  	s26 =	simm.s32 $0x9;
	_ =	strace $0x80000048  }
0xb0: {  	_ =	swait.ge [sflag:s26], $0x1  }
0xb1: {  	[sflag:s26] =	ssyncadd.s32 $0xFFFFFFFF  }
0xb2: {  	_ =	strace $0x90000048  }
0xb3: {  	_ =	sfence  }
0xb4: {  	s28 =	sld [smem:$0x0];
	_ =	sdelay $0x1  }
0xb5: {  	s29 =	srdreg.scid  }
0xb6: {  	s30 =	sshll.u32 s29, $0xD;
	s31 =	sshrl.u32 s29, $0x2  }
0xb7: {  	s2 =	sand.u32 $0x4000, s30;
	s1 =	sand.u32 $0x1, s29;
	s0 =	sadd.s32 s31, s28  }
0xb8: {  	s1 =	sor.u32 s2, s1;
	s0 =	sshll.u32 s0, $0x11  }
0xb9: {  	s0 =	sor.u32 s0, s1  }
0xba: {  	s0 =	sadd.s32 $0x8F2B, s0  }
0xbb: {  	[sflag:s0] =	ssyncadd.remote.s32 $0x1  }
0xbc: {  	_ =	sfence.sel $0xFFFF  }
0xbd: {  	[dreg:$0x0] =	wrdreg $0xFFFFFFFF;
	(pc) =	sbr.abs _section_cstart, $3  }
0xbe: {  	[dreg:$0x1] =	wrdreg $0xFFFFFFFF  }
0xbf: {  	_ =	task.clear_ibuf [dreg:s5], $0x2FFFF;
	_ =	strace $0x9FFFFFFF  }
0xc0: {  	(tm) =	ssettm $0x7FFFFFFF  }
0xc1: {  	_ =	shalt  }
tec
execute0_lowered:
.L_overlay_start_1:
0x0: {  	(tag) =	ssettag $0x1  }
0x1: {  	s3 =	rddreg [dreg:$0x0]  }
0x2: {  	s4 =	rddreg [dreg:$0x1]  }
0x3: {  	s0 =	rddreg [dreg:$0x2];
	s1 =	stileid.u32  }
0x4: {  	s5 =	simm.s32 $0x0;
	s6 =	simm.s32 $0x800;
	s2 =	sshll.u32 s1, $0x8  }
0x5: {  	s7 =	simm.s32 $0x20000;
	[smem:$0x7FF] =	sst s5;
	s3 =	sadd.s32 s2, s3  }
0x6: {  	s30 =	simm.s32 $0x1;
	_ =	strace $0x80000047;
	s3 =	sadd.s32 $0x3000, s3  }
0x7: {  	[tilespmem:s5], [sflag:$0x1] =	stream.strided.gather [hbm4b:s3+s6], $0x2000, s7, s6, $0x38;
	[tilespmem:$0x2000] =	vst v63  }
0x8: {  	_ =	swait.ge [sflag:s30], $0x2000  }
0x9: {  	s31 =	sand.u32 $0x1800, s5;
	s5 =	sand.u32 $0x380, s5;
	[sflag:s30] =	ssyncset.done $0x0  }
0xa: {  	s3 =	sor.u32 s5, s31;
	[sflag:s30] =	ssyncadd.s32 $0xFFFFE000  }
0xb: {  	v0 =	vld [tilespmem:s3+$0x0]  }
0xc: {  	v1 =	vld [tilespmem:s3+$0x10]  }
0xd: {  	v2 =	vld [tilespmem:s3+$0x20]  }
0xe: {  	v3 =	vld [tilespmem:s3+$0x30]  }
0xf: {  	v4 =	vld [tilespmem:s3+$0x40]  }
0x10: {  	v5 =	vld [tilespmem:s3+$0x50];
	vm0 =	vlt.u32 v0, $0xA;
	v0 =	vadd.s32 $0x1, v0  }
0x11: {  	v6 =	vld [tilespmem:s3+$0x60];
	v0 =	vnsel vm0, $0x0, v0;
	vm0 =	vlt.u32 v1, $0xA;
	v1 =	vadd.s32 $0x1, v1  }
0x12: {  	[tilespmem:s3+$0x0] =	vst v0;
	v0 =	vnsel vm0, $0x0, v1;
	vm0 =	vlt.u32 v2, $0xA;
	v1 =	vadd.s32 $0x1, v2;
	v2 =	vld [tilespmem:s3+$0x70]  }
0x13: {  	v7 =	vld [tilespmem:s3+$0x400];
	[tilespmem:s3+$0x10] =	vst v0;
	v0 =	vnsel vm0, $0x0, v1;
	vm0 =	vlt.u32 v3, $0xA;
	v1 =	vadd.s32 $0x1, v3  }
0x14: {  	v3 =	vld [tilespmem:s3+$0x410];
	[tilespmem:s3+$0x20] =	vst v0;
	v0 =	vnsel vm0, $0x0, v1;
	vm0 =	vlt.u32 v4, $0xA;
	v1 =	vadd.s32 $0x1, v4  }
0x15: {  	v4 =	vadd.s32 $0x1, v5;
	[tilespmem:s3+$0x30] =	vst v0;
	v0 =	vnsel vm0, $0x0, v1;
	vm0 =	vlt.u32 v5, $0xA;
	v1 =	vld [tilespmem:s3+$0x420]  }
0x16: {  	v5 =	vadd.s32 $0x1, v6;
	[tilespmem:s3+$0x40] =	vst v0;
	v4 =	vnsel vm0, $0x0, v4;
	vm0 =	vlt.u32 v6, $0xA;
	v0 =	vld [tilespmem:s3+$0x430]  }
0x17: {  	[tilespmem:s3+$0x50] =	vst v4;
	v4 =	vnsel vm0, $0x0, v5;
	vm0 =	vlt.u32 v2, $0xA;
	v5 =	vadd.s32 $0x1, v2;
	v2 =	vld [tilespmem:s3+$0x440]  }
0x18: {  	s4 =	sadd.s32 $0x800, s4;
	s6 =	simm.s32 $0x100;
	s5 =	simm.s32 $0x80;
	v6 =	vadd.s32 $0x1, v7;
	[tilespmem:s3+$0x60] =	vst v4;
	v5 =	vnsel vm0, $0x0, v5;
	vm0 =	vlt.u32 v7, $0xA;
	v4 =	vld [tilespmem:s3+$0x450]  }
.LBB2_1:
0x19: {  	s7 =	sand.u32 $0x1800, s6;
	s8 =	sand.u32 $0x380, s5;
	p0 =	sne.s32 s6, $0x1900;
	[tilespmem:s3+$0x70] =	vst v5;
	v5 =	vnsel vm0, $0x0, v6;
	vm0 =	vlt.u32 v3, $0xA;
	v3 =	vadd.s32 $0x1, v3;
	v6 =	vld [tilespmem:s3+$0x460]  }
0x1a: {  	s7 =	sor.u32 s8, s7;
	[tilespmem:s3+$0x400] =	vst v5;
	v3 =	vnsel vm0, $0x0, v3;
	vm0 =	vlt.u32 v1, $0xA;
	v1 =	vadd.s32 $0x1, v1;
	v5 =	vld [tilespmem:s3+$0x470]  }
0x1b: {  	v7 =	vld [tilespmem:s7+$0x0];
	[tilespmem:s3+$0x410] =	vst v3;
	v1 =	vnsel vm0, $0x0, v1;
	vm0 =	vlt.u32 v0, $0xA;
	v0 =	vadd.s32 $0x1, v0  }
0x1c: {  	v3 =	vld [tilespmem:s7+$0x10];
	[tilespmem:s3+$0x420] =	vst v1;
	v0 =	vnsel vm0, $0x0, v0;
	vm0 =	vlt.u32 v2, $0xA;
	v1 =	vadd.s32 $0x1, v2  }
0x1d: {  	v2 =	vld [tilespmem:s7+$0x20];
	[tilespmem:s3+$0x430] =	vst v0;
	v0 =	vnsel vm0, $0x0, v1;
	vm0 =	vlt.u32 v4, $0xA;
	v1 =	vadd.s32 $0x1, v4  }
0x1e: {  	v4 =	vld [tilespmem:s7+$0x30];
	[tilespmem:s3+$0x440] =	vst v0;
	v0 =	vnsel vm0, $0x0, v1;
	vm0 =	vlt.u32 v6, $0xA;
	v1 =	vadd.s32 $0x1, v6  }
0x1f: {  	v6 =	vld [tilespmem:s7+$0x40];
	[tilespmem:s3+$0x450] =	vst v0;
	v0 =	vnsel vm0, $0x0, v1;
	vm0 =	vlt.u32 v5, $0xA;
	v1 =	vadd.s32 $0x1, v5  }
0x20: {  	vm1 =	vlt.u32 v7, $0xA;
	v5 =	vadd.s32 $0x1, v7;
	v7 =	vld [tilespmem:s7+$0x50];
	[tilespmem:s3+$0x460] =	vst v0;
	v0 =	vnsel vm0, $0x0, v1  }
0x21: {  	v1 =	vnsel vm1, $0x0, v5;
	vm0 =	vlt.u32 v3, $0xA;
	v3 =	vadd.s32 $0x1, v3;
	v5 =	vld [tilespmem:s7+$0x60];
	[tilespmem:s3+$0x470] =	vst v0;
	s3 =	smov.u32 s7  }
0x22: {  	[tilespmem:s3+$0x0] =	vst v1;
	v0 =	vnsel vm0, $0x0, v3;
	vm0 =	vlt.u32 v2, $0xA;
	v1 =	vadd.s32 $0x1, v2;
	v2 =	vld [tilespmem:s3+$0x70]  }
0x23: {  	[tilespmem:s3+$0x10] =	vst v0;
	v0 =	vnsel vm0, $0x0, v1;
	vm0 =	vlt.u32 v4, $0xA;
	v1 =	vadd.s32 $0x1, v4;
	v4 =	vld [tilespmem:s3+$0x400]  }
.Ltmp0:
0x24: {  	[tilespmem:s3+$0x20] =	vst v0;
	v0 =	vnsel vm0, $0x0, v1;
	vm0 =	vlt.u32 v6, $0xA;
	v1 =	vadd.s32 $0x1, v6;
	v3 =	vld [tilespmem:s3+$0x410];
	(pc) =	sbr.rel @p0 .LBB2_1-.Ltmp0, $4  }
0x25: {  	[tilespmem:s3+$0x30] =	vst v0;
	v0 =	vnsel vm0, $0x0, v1;
	vm0 =	vlt.u32 v7, $0xA;
	v6 =	vadd.s32 $0x1, v7;
	v1 =	vld [tilespmem:s3+$0x420]  }
0x26: {  	[tilespmem:s3+$0x40] =	vst v0;
	v6 =	vnsel vm0, $0x0, v6;
	vm0 =	vlt.u32 v5, $0xA;
	v5 =	vadd.s32 $0x1, v5;
	v0 =	vld [tilespmem:s3+$0x430]  }
0x27: {  	[tilespmem:s3+$0x50] =	vst v6;
	v5 =	vnsel vm0, $0x0, v5;
	vm0 =	vlt.u32 v2, $0xA;
	v6 =	vadd.s32 $0x1, v2;
	v2 =	vld [tilespmem:s3+$0x440]  }
0x28: {  	s5 =	sadd.s32 $0x80, s5;
	s6 =	sadd.s32 $0x100, s6;
	[tilespmem:s3+$0x60] =	vst v5;
	v5 =	vnsel vm0, $0x0, v6;
	vm0 =	vlt.u32 v4, $0xA;
	v6 =	vadd.s32 $0x1, v4;
	v4 =	vld [tilespmem:s3+$0x450]  }
0x29: {  	[tilespmem:s3+$0x70] =	vst v5;
	v50 =	vnsel vm0, $0x0, v6;
	vm9 =	vlt.u32 v3, $0xA;
	v51 =	vadd.s32 $0x1, v3;
	v52 =	vld [tilespmem:s3+$0x460]  }
0x2a: {  	v54 =	vld [tilespmem:s3+$0x470];
	[tilespmem:s3+$0x400] =	vst v50;
	v3 =	vnsel vm9, $0x0, v51;
	vm10 =	vlt.u32 v1, $0xA;
	v53 =	vadd.s32 $0x1, v1  }
0x2b: {  	[tilespmem:s3+$0x410] =	vst v3;
	v1 =	vnsel vm10, $0x0, v53;
	vm11 =	vlt.u32 v0, $0xA;
	v55 =	vadd.s32 $0x1, v0  }
0x2c: {  	[tilespmem:s3+$0x420] =	vst v1;
	v0 =	vnsel vm11, $0x0, v55;
	vm12 =	vlt.u32 v2, $0xA;
	v56 =	vadd.s32 $0x1, v2  }
0x2d: {  	[tilespmem:s3+$0x430] =	vst v0;
	v57 =	vnsel vm12, $0x0, v56;
	vm13 =	vlt.u32 v4, $0xA;
	v58 =	vadd.s32 $0x1, v4  }
0x2e: {  	[tilespmem:s3+$0x440] =	vst v57;
	v59 =	vnsel vm13, $0x0, v58;
	vm14 =	vlt.u32 v52, $0xA;
	v60 =	vadd.s32 $0x1, v52  }
0x2f: {  	vm15 =	vlt.u32 v54, $0xA;
	v62 =	vadd.s32 $0x1, v54;
	[tilespmem:s3+$0x450] =	vst v59;
	v61 =	vnsel vm14, $0x0, v60  }
0x30: {  	s2 =	sadd.s32 s4, s2;
	s29 =	simm.s32 $0x800;
	v63 =	vnsel vm15, $0x0, v62;
	[tilespmem:s3+$0x460] =	vst v61  }
0x31: {  	s30 =	simm.s32 $0x8000;
	s5 =	simm.s32 $0x0;
	s31 =	simm.s32 $0x1;
	[tilespmem:s3+$0x470] =	vst v63  }
0x32: {  	[hbm4b:s2+s29] =	stream.strided.scatter [tilespmem:s5], [sflag:$0x1], $0x2000, s30, s29, $0x38;
	[tilespmem:$0x2000] =	vst v63  }
0x33: {  	_ =	swait.ge [sflag:s31], $0x2000  }
0x34: {  	[sflag:s31] =	ssyncset.done $0x0  }
0x35: {  	[sflag:s31] =	ssyncadd.s32 $0xFFFFE000  }
0x36: {  	_ =	sfence.sel $0x180000  }
0x37: {  	[bflag:$0x0] =	sbarrier.arrive $0xFFFF  }
0x38: {  	p0 =	sne.s32 s1, $0x0;
	_ =	strace $0x90000047  }
0x39: {  	s0 =	sadd.s32 @!p0 $0x100000, s0;
	[bflag:$0x2] =	sbarrier.arrive $0xFFFF  }
0x3a: {  	[sflag:s0] =	ssyncadd.tile.s32 @!p0 $0x1;
	_ =	shalt  }
.Lfunc_end2:
_tile_overlayer_lowered:
.L_overlay_start_2:
0x3b: {  	(tag) =	ssettag $0x2  }
0x3c: {  	s0 =	rddreg [dreg:$0x0];
	s2 =	stileid.u32  }
0x3d: {  	s1 =	rddreg [dreg:$0x1];
	p0 =	sne.s32 s2, $0x0  }
0x3e: {  	s3 =	rddreg [dreg:$0x2];
	[bflag:$0x3] =	sbarrier.arrive $0xFFFF;
	s2 =	simm.s32 @!p0 $0x1C01  }
0x3f: {  	[timem:s3], [sflag:s2] =	dma.local @!p0 [hbm:s0], s1  }
0x40: {  	s0 =	simm.s32 @!p0 $0x1  }
0x41: {  	_ =	swait.ge @!p0 [sflag:s0], s1  }
0x42: {  	s1 =	ssub.s32 @!p0 $0x0, s1;
	[sflag:s0] =	ssyncset.done @!p0 $0x0  }
0x43: {  	[sflag:s0] =	ssyncadd.s32 @!p0 s1  }
0x44: {  	[bflag:$0x3] =	sbarrier.arrive $0xFFFF  }
0x45: {  	_ =	shalt  }

</sc_bundles>
